<compile_context>
chip_gen: v7x
topology: tpu7x:2x2x1
jax: 0.10.2.dev20260603
libtpu: 0.0.44.dev20260713+nightly
codegen_flags: <defaults>
</compile_context>

<pallas_src>
import functools

import jax
import jax.numpy as jnp
from jax import lax
from jax.experimental import pallas as pl
from jax.experimental.pallas import tpu as pltpu
from jax.experimental.pallas import tpu_sc as plsc

_NUM_WORKERS = 32


@functools.lru_cache(maxsize=None)
def _make_emb_kernel(B, S, D, NB):
    assert B % (_NUM_WORKERS * NB) == 0
    rows_per_w = B // _NUM_WORKERS
    n_chunks = rows_per_w // NB
    half = S // 2
    assert S % 2 == 0 and half <= 128 and D % 16 == 0

    mesh = plsc.VectorSubcoreMesh(core_axis_name="c", subcore_axis_name="s")

    @functools.partial(
        pl.kernel,
        mesh=mesh,
        out_type=jax.ShapeDtypeStruct((B * S, D), jnp.float32),
        scratch_types=[
            pltpu.VMEM((S, D), jnp.float32),
            pltpu.VMEM((NB * 2, half), jnp.int32),
            pltpu.VMEM((NB * S, D), jnp.float32),
            pltpu.SemaphoreType.DMA,
        ],
        compiler_params=pltpu.CompilerParams(use_tc_tiling_on_sc=False),
    )
    def emb(x_hbm, tok_hbm, pos_hbm, out_hbm, pos_v, idx_v, rows_v, sem):
        wid = lax.axis_index("s") * 2 + lax.axis_index("c")
        base = wid * rows_per_w
        pltpu.sync_copy(pos_hbm, pos_v)

        def chunk(ci, carry):
            b0 = base + ci * NB
            pltpu.sync_copy(x_hbm.at[pl.ds(b0 * 2, NB * 2)], idx_v)
            copies = [
                pltpu.async_copy(
                    tok_hbm.at[idx_v.at[t]],
                    rows_v.at[pl.ds(t * half, half)],
                    sem,
                )
                for t in range(NB * 2)
            ]
            for cp in copies:
                cp.wait()

            def add_row(j, c):
                for r in range(NB):
                    for q in range(D // 16):
                        sl = pl.ds(q * 16, 16)
                        rows_v[r * S + j, sl] = rows_v[r * S + j, sl] + pos_v[j, sl]
                return c

            lax.fori_loop(0, S, add_row, 0)
            pltpu.sync_copy(rows_v, out_hbm.at[pl.ds(b0 * S, NB * S)])
            return carry

        lax.fori_loop(0, n_chunks, chunk, 0)

    return emb


def kernel(x, token_table, pos_table):
    B, S = x.shape
    V, D = token_table.shape
    emb = _make_emb_kernel(B, S, D, 4)
    out = emb(x.reshape(B * 2, S // 2).astype(jnp.int32), token_table, pos_table)
    return out.reshape(B, S, D)

# --- scband reference (transcript-rebuilt; emitter-appended) ---
"""Pipeline reference for scband-token-and-position-embedding-52415780880514 (READ-ONLY COPY).

The authoritative reference and input builder live on the scoring server;
editing this copy changes nothing except your own understanding.
"""

import jax, jax.numpy as jnp
import numpy as np

VOCAB = 1000000
EMBED_DIM = 64
MAX_LEN = 200
BATCH = 4096
SEQ_LEN = 200


def setup_inputs(seed: int = 0) -> dict:
    key = jax.random.key(seed)
    k1, k2, k3 = jax.random.split(key, 3)
    x = jax.random.randint(k1, (BATCH, SEQ_LEN), 0, VOCAB, dtype=jnp.int64 if jax.config.jax_enable_x64 else jnp.int32)
    token_table = jax.random.normal(k2, (VOCAB, EMBED_DIM), dtype=jnp.float32)
    pos_table = jax.random.normal(k3, (MAX_LEN, EMBED_DIM), dtype=jnp.float32)
    return {"x": x, "token_table": token_table, "pos_table": pos_table}


def reference(x, token_table, pos_table):
    N, seq_len = x.shape
    positions = jnp.broadcast_to(jnp.arange(seq_len), (N, seq_len))
    token_embed = jnp.take(token_table, x, axis=0)
    position_embed = jnp.take(pos_table, positions, axis=0)
    return token_embed + position_embed

if __name__ == "__main__":
    import jax
    _d = setup_inputs()
    print(jax.jit(kernel)(*tuple(_d.values())))

</pallas_src>

<mosaic_0001>
#map = affine_map<(d0, d1) -> (0, 0)>
module attributes {stable_mosaic.version = 14 : i64} {
  func.func @emb(%arg0: i32, %arg1: i32, %arg2: memref<8192x100xi32, #tpu.memory_space<hbm>>, %arg3: memref<1000000x64xf32, #tpu.memory_space<hbm>>, %arg4: memref<200x64xf32, #tpu.memory_space<hbm>>, %arg5: memref<819200x64xf32, #tpu.memory_space<hbm>>, %arg6: memref<200x64xf32, #tpu.memory_space<vmem>>, %arg7: memref<8x100xi32, #tpu.memory_space<vmem>>, %arg8: memref<800x64xf32, #tpu.memory_space<vmem>>, %arg9: memref<!tpu.dma_semaphore, #tpu.memory_space<semaphore_mem>>) attributes {dimension_semantics = [#tpu.dimension_semantics<core_parallel>, #tpu.dimension_semantics<subcore_parallel>], iteration_bounds = array<i64: 2, 16>, scalar_prefetch = 0 : i64, scratch_operands = 4 : i64, tpu.core_type = #tpu.core_type<sc_vector_subcore>, window_params = [{transform_indices = #map}, {transform_indices = #map}, {transform_indices = #map}, {transform_indices = #map}]} {
    %mul3A = arith.constant 2 : i32
    %mul3A_0 = arith.muli %arg1, %mul3A : i32
    %add3A = arith.addi %mul3A_0, %arg0 : i32
    %mul3A_1 = arith.constant 128 : i32
    %mul3A_2 = arith.muli %add3A, %mul3A_1 : i32
    "tpu.region"() ({
      %run_scoped3A = tpu.sem_alloc : memref<!tpu.dma_semaphore, #tpu.memory_space<semaphore_mem>>
      tpu.enqueue_dma source(%arg4 : memref<200x64xf32, #tpu.memory_space<hbm>>) target(%arg6 : memref<200x64xf32, #tpu.memory_space<vmem>>) target_semaphore(%run_scoped3A : memref<!tpu.dma_semaphore, #tpu.memory_space<semaphore_mem>>)
      tpu.wait_dma2 semaphore(%run_scoped3A : memref<!tpu.dma_semaphore, #tpu.memory_space<semaphore_mem>>) src(%arg4 : memref<200x64xf32, #tpu.memory_space<hbm>>) dst(%arg6 : memref<200x64xf32, #tpu.memory_space<vmem>>)
      tpu.yield
    }) : () -> ()
    %scan3A = arith.constant 0 : i32
    %scan3A_3 = arith.constant 0 : i32
    %scan3A_4 = arith.constant 32 : i32
    %scan3A_5 = arith.addi %scan3A_3, %scan3A_4 : i32
    %scan3A_6 = arith.constant 1 : i32
    scf.for %scan3A_8 = %scan3A_3 to %scan3A_5 step %scan3A_6  : i32 {
      %mul3A_9 = arith.constant 4 : i32
      %mul3A_10 = arith.muli %scan3A_8, %mul3A_9 : i32
      %add3A_11 = arith.addi %mul3A_2, %mul3A_10 : i32
      %mul3A_12 = arith.constant 2 : i32
      %mul3A_13 = arith.muli %add3A_11, %mul3A_12 : i32
      "tpu.region"() ({
        %run_scoped3A = tpu.sem_alloc : memref<!tpu.dma_semaphore, #tpu.memory_space<semaphore_mem>>
        %dma_start3A_180 = arith.constant 0 : i32
        %dma_start3A_181 = tpu.memref_slice %arg2[%mul3A_13, %dma_start3A_180] : memref<8192x100xi32, #tpu.memory_space<hbm>> -> memref<8x100xi32, #tpu.memory_space<hbm>>
        %dma_start3A_182 = arith.constant 0 : i32
        %dma_start3A_183 = tpu.memref_slice %arg2[%mul3A_13, %dma_start3A_182] : memref<8192x100xi32, #tpu.memory_space<hbm>> -> memref<8x100xi32, #tpu.memory_space<hbm>>
        tpu.enqueue_dma source(%dma_start3A_183 : memref<8x100xi32, #tpu.memory_space<hbm>>) target(%arg7 : memref<8x100xi32, #tpu.memory_space<vmem>>) target_semaphore(%run_scoped3A : memref<!tpu.dma_semaphore, #tpu.memory_space<semaphore_mem>>)
        %dma_wait3A_184 = arith.constant 0 : i32
        %dma_wait3A_185 = tpu.memref_slice %arg2[%mul3A_13, %dma_wait3A_184] : memref<8192x100xi32, #tpu.memory_space<hbm>> -> memref<8x100xi32, #tpu.memory_space<hbm>>
        %dma_wait3A_186 = arith.constant 0 : i32
        %dma_wait3A_187 = tpu.memref_slice %arg2[%mul3A_13, %dma_wait3A_186] : memref<8192x100xi32, #tpu.memory_space<hbm>> -> memref<8x100xi32, #tpu.memory_space<hbm>>
        tpu.wait_dma2 semaphore(%run_scoped3A : memref<!tpu.dma_semaphore, #tpu.memory_space<semaphore_mem>>) src(%dma_wait3A_187 : memref<8x100xi32, #tpu.memory_space<hbm>>) dst(%arg7 : memref<8x100xi32, #tpu.memory_space<vmem>>)
        tpu.yield
      }) : () -> ()
      %dma_start3A = arith.constant 0 : i32
      %dma_start3A_14 = arith.constant 0 : i32
      %dma_start3A_15 = arith.constant 0 : i32
      %dma_start3A_16 = tpu.memref_slice %arg8[%dma_start3A_14, %dma_start3A_15] : memref<800x64xf32, #tpu.memory_space<vmem>> -> memref<100x64xf32, #tpu.memory_space<vmem>>
      %dma_start3A_17 = arith.constant 0 : i32
      %dma_start3A_18 = tpu.memref_slice %arg7[%dma_start3A, %dma_start3A_17] : memref<8x100xi32, #tpu.memory_space<vmem>> -> memref<1x100xi32, #tpu.memory_space<vmem>>
      %dma_start3A_19 = tpu.memref_squeeze %dma_start3A_18 : memref<1x100xi32, #tpu.memory_space<vmem>> -> memref<100xi32, #tpu.memory_space<vmem>>
      %dma_start3A_20 = arith.constant 0 : i32
      %dma_start3A_21 = arith.constant 0 : i32
      %dma_start3A_22 = tpu.memref_slice %arg3[%dma_start3A_20, %dma_start3A_21] : memref<1000000x64xf32, #tpu.memory_space<hbm>> -> memref<1000000x64xf32, #tpu.memory_space<hbm>>
      tpu.enqueue_indirect_dma source(%dma_start3A_22 : memref<1000000x64xf32, #tpu.memory_space<hbm>>) target(%dma_start3A_16 : memref<100x64xf32, #tpu.memory_space<vmem>>) offsets(%dma_start3A_19 : memref<100xi32, #tpu.memory_space<vmem>>) semaphore(%arg9 : memref<!tpu.dma_semaphore, #tpu.memory_space<semaphore_mem>>)
      %dma_start3A_23 = arith.constant 1 : i32
      %dma_start3A_24 = arith.constant 100 : i32
      %dma_start3A_25 = arith.constant 0 : i32
      %dma_start3A_26 = tpu.memref_slice %arg8[%dma_start3A_24, %dma_start3A_25] : memref<800x64xf32, #tpu.memory_space<vmem>> -> memref<100x64xf32, #tpu.memory_space<vmem>>
      %dma_start3A_27 = arith.constant 0 : i32
      %dma_start3A_28 = tpu.memref_slice %arg7[%dma_start3A_23, %dma_start3A_27] : memref<8x100xi32, #tpu.memory_space<vmem>> -> memref<1x100xi32, #tpu.memory_space<vmem>>
      %dma_start3A_29 = tpu.memref_squeeze %dma_start3A_28 : memref<1x100xi32, #tpu.memory_space<vmem>> -> memref<100xi32, #tpu.memory_space<vmem>>
      %dma_start3A_30 = arith.constant 0 : i32
      %dma_start3A_31 = arith.constant 0 : i32
      %dma_start3A_32 = tpu.memref_slice %arg3[%dma_start3A_30, %dma_start3A_31] : memref<1000000x64xf32, #tpu.memory_space<hbm>> -> memref<1000000x64xf32, #tpu.memory_space<hbm>>
      tpu.enqueue_indirect_dma source(%dma_start3A_32 : memref<1000000x64xf32, #tpu.memory_space<hbm>>) target(%dma_start3A_26 : memref<100x64xf32, #tpu.memory_space<vmem>>) offsets(%dma_start3A_29 : memref<100xi32, #tpu.memory_space<vmem>>) semaphore(%arg9 : memref<!tpu.dma_semaphore, #tpu.memory_space<semaphore_mem>>)
      %dma_start3A_33 = arith.constant 2 : i32
      %dma_start3A_34 = arith.constant 200 : i32
      %dma_start3A_35 = arith.constant 0 : i32
      %dma_start3A_36 = tpu.memref_slice %arg8[%dma_start3A_34, %dma_start3A_35] : memref<800x64xf32, #tpu.memory_space<vmem>> -> memref<100x64xf32, #tpu.memory_space<vmem>>
      %dma_start3A_37 = arith.constant 0 : i32
      %dma_start3A_38 = tpu.memref_slice %arg7[%dma_start3A_33, %dma_start3A_37] : memref<8x100xi32, #tpu.memory_space<vmem>> -> memref<1x100xi32, #tpu.memory_space<vmem>>
      %dma_start3A_39 = tpu.memref_squeeze %dma_start3A_38 : memref<1x100xi32, #tpu.memory_space<vmem>> -> memref<100xi32, #tpu.memory_space<vmem>>
      %dma_start3A_40 = arith.constant 0 : i32
      %dma_start3A_41 = arith.constant 0 : i32
      %dma_start3A_42 = tpu.memref_slice %arg3[%dma_start3A_40, %dma_start3A_41] : memref<1000000x64xf32, #tpu.memory_space<hbm>> -> memref<1000000x64xf32, #tpu.memory_space<hbm>>
      tpu.enqueue_indirect_dma source(%dma_start3A_42 : memref<1000000x64xf32, #tpu.memory_space<hbm>>) target(%dma_start3A_36 : memref<100x64xf32, #tpu.memory_space<vmem>>) offsets(%dma_start3A_39 : memref<100xi32, #tpu.memory_space<vmem>>) semaphore(%arg9 : memref<!tpu.dma_semaphore, #tpu.memory_space<semaphore_mem>>)
      %dma_start3A_43 = arith.constant 3 : i32
      %dma_start3A_44 = arith.constant 300 : i32
      %dma_start3A_45 = arith.constant 0 : i32
      %dma_start3A_46 = tpu.memref_slice %arg8[%dma_start3A_44, %dma_start3A_45] : memref<800x64xf32, #tpu.memory_space<vmem>> -> memref<100x64xf32, #tpu.memory_space<vmem>>
      %dma_start3A_47 = arith.constant 0 : i32
      %dma_start3A_48 = tpu.memref_slice %arg7[%dma_start3A_43, %dma_start3A_47] : memref<8x100xi32, #tpu.memory_space<vmem>> -> memref<1x100xi32, #tpu.memory_space<vmem>>
      %dma_start3A_49 = tpu.memref_squeeze %dma_start3A_48 : memref<1x100xi32, #tpu.memory_space<vmem>> -> memref<100xi32, #tpu.memory_space<vmem>>
      %dma_start3A_50 = arith.constant 0 : i32
      %dma_start3A_51 = arith.constant 0 : i32
      %dma_start3A_52 = tpu.memref_slice %arg3[%dma_start3A_50, %dma_start3A_51] : memref<1000000x64xf32, #tpu.memory_space<hbm>> -> memref<1000000x64xf32, #tpu.memory_space<hbm>>
      tpu.enqueue_indirect_dma source(%dma_start3A_52 : memref<1000000x64xf32, #tpu.memory_space<hbm>>) target(%dma_start3A_46 : memref<100x64xf32, #tpu.memory_space<vmem>>) offsets(%dma_start3A_49 : memref<100xi32, #tpu.memory_space<vmem>>) semaphore(%arg9 : memref<!tpu.dma_semaphore, #tpu.memory_space<semaphore_mem>>)
      %dma_start3A_53 = arith.constant 4 : i32
      %dma_start3A_54 = arith.constant 400 : i32
      %dma_start3A_55 = arith.constant 0 : i32
      %dma_start3A_56 = tpu.memref_slice %arg8[%dma_start3A_54, %dma_start3A_55] : memref<800x64xf32, #tpu.memory_space<vmem>> -> memref<100x64xf32, #tpu.memory_space<vmem>>
      %dma_start3A_57 = arith.constant 0 : i32
      %dma_start3A_58 = tpu.memref_slice %arg7[%dma_start3A_53, %dma_start3A_57] : memref<8x100xi32, #tpu.memory_space<vmem>> -> memref<1x100xi32, #tpu.memory_space<vmem>>
      %dma_start3A_59 = tpu.memref_squeeze %dma_start3A_58 : memref<1x100xi32, #tpu.memory_space<vmem>> -> memref<100xi32, #tpu.memory_space<vmem>>
      %dma_start3A_60 = arith.constant 0 : i32
      %dma_start3A_61 = arith.constant 0 : i32
      %dma_start3A_62 = tpu.memref_slice %arg3[%dma_start3A_60, %dma_start3A_61] : memref<1000000x64xf32, #tpu.memory_space<hbm>> -> memref<1000000x64xf32, #tpu.memory_space<hbm>>
      tpu.enqueue_indirect_dma source(%dma_start3A_62 : memref<1000000x64xf32, #tpu.memory_space<hbm>>) target(%dma_start3A_56 : memref<100x64xf32, #tpu.memory_space<vmem>>) offsets(%dma_start3A_59 : memref<100xi32, #tpu.memory_space<vmem>>) semaphore(%arg9 : memref<!tpu.dma_semaphore, #tpu.memory_space<semaphore_mem>>)
      %dma_start3A_63 = arith.constant 5 : i32
      %dma_start3A_64 = arith.constant 500 : i32
      %dma_start3A_65 = arith.constant 0 : i32
      %dma_start3A_66 = tpu.memref_slice %arg8[%dma_start3A_64, %dma_start3A_65] : memref<800x64xf32, #tpu.memory_space<vmem>> -> memref<100x64xf32, #tpu.memory_space<vmem>>
      %dma_start3A_67 = arith.constant 0 : i32
      %dma_start3A_68 = tpu.memref_slice %arg7[%dma_start3A_63, %dma_start3A_67] : memref<8x100xi32, #tpu.memory_space<vmem>> -> memref<1x100xi32, #tpu.memory_space<vmem>>
      %dma_start3A_69 = tpu.memref_squeeze %dma_start3A_68 : memref<1x100xi32, #tpu.memory_space<vmem>> -> memref<100xi32, #tpu.memory_space<vmem>>
      %dma_start3A_70 = arith.constant 0 : i32
      %dma_start3A_71 = arith.constant 0 : i32
      %dma_start3A_72 = tpu.memref_slice %arg3[%dma_start3A_70, %dma_start3A_71] : memref<1000000x64xf32, #tpu.memory_space<hbm>> -> memref<1000000x64xf32, #tpu.memory_space<hbm>>
      tpu.enqueue_indirect_dma source(%dma_start3A_72 : memref<1000000x64xf32, #tpu.memory_space<hbm>>) target(%dma_start3A_66 : memref<100x64xf32, #tpu.memory_space<vmem>>) offsets(%dma_start3A_69 : memref<100xi32, #tpu.memory_space<vmem>>) semaphore(%arg9 : memref<!tpu.dma_semaphore, #tpu.memory_space<semaphore_mem>>)
      %dma_start3A_73 = arith.constant 6 : i32
      %dma_start3A_74 = arith.constant 600 : i32
      %dma_start3A_75 = arith.constant 0 : i32
      %dma_start3A_76 = tpu.memref_slice %arg8[%dma_start3A_74, %dma_start3A_75] : memref<800x64xf32, #tpu.memory_space<vmem>> -> memref<100x64xf32, #tpu.memory_space<vmem>>
      %dma_start3A_77 = arith.constant 0 : i32
      %dma_start3A_78 = tpu.memref_slice %arg7[%dma_start3A_73, %dma_start3A_77] : memref<8x100xi32, #tpu.memory_space<vmem>> -> memref<1x100xi32, #tpu.memory_space<vmem>>
      %dma_start3A_79 = tpu.memref_squeeze %dma_start3A_78 : memref<1x100xi32, #tpu.memory_space<vmem>> -> memref<100xi32, #tpu.memory_space<vmem>>
      %dma_start3A_80 = arith.constant 0 : i32
      %dma_start3A_81 = arith.constant 0 : i32
      %dma_start3A_82 = tpu.memref_slice %arg3[%dma_start3A_80, %dma_start3A_81] : memref<1000000x64xf32, #tpu.memory_space<hbm>> -> memref<1000000x64xf32, #tpu.memory_space<hbm>>
      tpu.enqueue_indirect_dma source(%dma_start3A_82 : memref<1000000x64xf32, #tpu.memory_space<hbm>>) target(%dma_start3A_76 : memref<100x64xf32, #tpu.memory_space<vmem>>) offsets(%dma_start3A_79 : memref<100xi32, #tpu.memory_space<vmem>>) semaphore(%arg9 : memref<!tpu.dma_semaphore, #tpu.memory_space<semaphore_mem>>)
      %dma_start3A_83 = arith.constant 7 : i32
      %dma_start3A_84 = arith.constant 700 : i32
      %dma_start3A_85 = arith.constant 0 : i32
      %dma_start3A_86 = tpu.memref_slice %arg8[%dma_start3A_84, %dma_start3A_85] : memref<800x64xf32, #tpu.memory_space<vmem>> -> memref<100x64xf32, #tpu.memory_space<vmem>>
      %dma_start3A_87 = arith.constant 0 : i32
      %dma_start3A_88 = tpu.memref_slice %arg7[%dma_start3A_83, %dma_start3A_87] : memref<8x100xi32, #tpu.memory_space<vmem>> -> memref<1x100xi32, #tpu.memory_space<vmem>>
      %dma_start3A_89 = tpu.memref_squeeze %dma_start3A_88 : memref<1x100xi32, #tpu.memory_space<vmem>> -> memref<100xi32, #tpu.memory_space<vmem>>
      %dma_start3A_90 = arith.constant 0 : i32
      %dma_start3A_91 = arith.constant 0 : i32
      %dma_start3A_92 = tpu.memref_slice %arg3[%dma_start3A_90, %dma_start3A_91] : memref<1000000x64xf32, #tpu.memory_space<hbm>> -> memref<1000000x64xf32, #tpu.memory_space<hbm>>
      tpu.enqueue_indirect_dma source(%dma_start3A_92 : memref<1000000x64xf32, #tpu.memory_space<hbm>>) target(%dma_start3A_86 : memref<100x64xf32, #tpu.memory_space<vmem>>) offsets(%dma_start3A_89 : memref<100xi32, #tpu.memory_space<vmem>>) semaphore(%arg9 : memref<!tpu.dma_semaphore, #tpu.memory_space<semaphore_mem>>)
      %dma_wait3A = arith.constant 0 : i32
      %dma_wait3A_93 = arith.constant 0 : i32
      %dma_wait3A_94 = arith.constant 0 : i32
      %dma_wait3A_95 = tpu.memref_slice %arg8[%dma_wait3A_93, %dma_wait3A_94] : memref<800x64xf32, #tpu.memory_space<vmem>> -> memref<100x64xf32, #tpu.memory_space<vmem>>
      %dma_wait3A_96 = arith.constant 0 : i32
      %dma_wait3A_97 = tpu.memref_slice %arg7[%dma_wait3A, %dma_wait3A_96] : memref<8x100xi32, #tpu.memory_space<vmem>> -> memref<1x100xi32, #tpu.memory_space<vmem>>
      %dma_wait3A_98 = tpu.memref_squeeze %dma_wait3A_97 : memref<1x100xi32, #tpu.memory_space<vmem>> -> memref<100xi32, #tpu.memory_space<vmem>>
      %dma_wait3A_99 = arith.constant 0 : i32
      %dma_wait3A_100 = arith.constant 0 : i32
      %dma_wait3A_101 = tpu.memref_slice %arg3[%dma_wait3A_99, %dma_wait3A_100] : memref<1000000x64xf32, #tpu.memory_space<hbm>> -> memref<1000000x64xf32, #tpu.memory_space<hbm>>
      tpu.wait_indirect_dma semaphore(%arg9 : memref<!tpu.dma_semaphore, #tpu.memory_space<semaphore_mem>>) src(%dma_wait3A_101 : memref<1000000x64xf32, #tpu.memory_space<hbm>>) dst(%dma_wait3A_95 : memref<100x64xf32, #tpu.memory_space<vmem>>)
      %dma_wait3A_102 = arith.constant 1 : i32
      %dma_wait3A_103 = arith.constant 100 : i32
      %dma_wait3A_104 = arith.constant 0 : i32
      %dma_wait3A_105 = tpu.memref_slice %arg8[%dma_wait3A_103, %dma_wait3A_104] : memref<800x64xf32, #tpu.memory_space<vmem>> -> memref<100x64xf32, #tpu.memory_space<vmem>>
      %dma_wait3A_106 = arith.constant 0 : i32
      %dma_wait3A_107 = tpu.memref_slice %arg7[%dma_wait3A_102, %dma_wait3A_106] : memref<8x100xi32, #tpu.memory_space<vmem>> -> memref<1x100xi32, #tpu.memory_space<vmem>>
      %dma_wait3A_108 = tpu.memref_squeeze %dma_wait3A_107 : memref<1x100xi32, #tpu.memory_space<vmem>> -> memref<100xi32, #tpu.memory_space<vmem>>
      %dma_wait3A_109 = arith.constant 0 : i32
      %dma_wait3A_110 = arith.constant 0 : i32
      %dma_wait3A_111 = tpu.memref_slice %arg3[%dma_wait3A_109, %dma_wait3A_110] : memref<1000000x64xf32, #tpu.memory_space<hbm>> -> memref<1000000x64xf32, #tpu.memory_space<hbm>>
      tpu.wait_indirect_dma semaphore(%arg9 : memref<!tpu.dma_semaphore, #tpu.memory_space<semaphore_mem>>) src(%dma_wait3A_111 : memref<1000000x64xf32, #tpu.memory_space<hbm>>) dst(%dma_wait3A_105 : memref<100x64xf32, #tpu.memory_space<vmem>>)
      %dma_wait3A_112 = arith.constant 2 : i32
      %dma_wait3A_113 = arith.constant 200 : i32
      %dma_wait3A_114 = arith.constant 0 : i32
      %dma_wait3A_115 = tpu.memref_slice %arg8[%dma_wait3A_113, %dma_wait3A_114] : memref<800x64xf32, #tpu.memory_space<vmem>> -> memref<100x64xf32, #tpu.memory_space<vmem>>
      %dma_wait3A_116 = arith.constant 0 : i32
      %dma_wait3A_117 = tpu.memref_slice %arg7[%dma_wait3A_112, %dma_wait3A_116] : memref<8x100xi32, #tpu.memory_space<vmem>> -> memref<1x100xi32, #tpu.memory_space<vmem>>
      %dma_wait3A_118 = tpu.memref_squeeze %dma_wait3A_117 : memref<1x100xi32, #tpu.memory_space<vmem>> -> memref<100xi32, #tpu.memory_space<vmem>>
      %dma_wait3A_119 = arith.constant 0 : i32
      %dma_wait3A_120 = arith.constant 0 : i32
      %dma_wait3A_121 = tpu.memref_slice %arg3[%dma_wait3A_119, %dma_wait3A_120] : memref<1000000x64xf32, #tpu.memory_space<hbm>> -> memref<1000000x64xf32, #tpu.memory_space<hbm>>
      tpu.wait_indirect_dma semaphore(%arg9 : memref<!tpu.dma_semaphore, #tpu.memory_space<semaphore_mem>>) src(%dma_wait3A_121 : memref<1000000x64xf32, #tpu.memory_space<hbm>>) dst(%dma_wait3A_115 : memref<100x64xf32, #tpu.memory_space<vmem>>)
      %dma_wait3A_122 = arith.constant 3 : i32
      %dma_wait3A_123 = arith.constant 300 : i32
      %dma_wait3A_124 = arith.constant 0 : i32
      %dma_wait3A_125 = tpu.memref_slice %arg8[%dma_wait3A_123, %dma_wait3A_124] : memref<800x64xf32, #tpu.memory_space<vmem>> -> memref<100x64xf32, #tpu.memory_space<vmem>>
      %dma_wait3A_126 = arith.constant 0 : i32
      %dma_wait3A_127 = tpu.memref_slice %arg7[%dma_wait3A_122, %dma_wait3A_126] : memref<8x100xi32, #tpu.memory_space<vmem>> -> memref<1x100xi32, #tpu.memory_space<vmem>>
      %dma_wait3A_128 = tpu.memref_squeeze %dma_wait3A_127 : memref<1x100xi32, #tpu.memory_space<vmem>> -> memref<100xi32, #tpu.memory_space<vmem>>
      %dma_wait3A_129 = arith.constant 0 : i32
      %dma_wait3A_130 = arith.constant 0 : i32
      %dma_wait3A_131 = tpu.memref_slice %arg3[%dma_wait3A_129, %dma_wait3A_130] : memref<1000000x64xf32, #tpu.memory_space<hbm>> -> memref<1000000x64xf32, #tpu.memory_space<hbm>>
      tpu.wait_indirect_dma semaphore(%arg9 : memref<!tpu.dma_semaphore, #tpu.memory_space<semaphore_mem>>) src(%dma_wait3A_131 : memref<1000000x64xf32, #tpu.memory_space<hbm>>) dst(%dma_wait3A_125 : memref<100x64xf32, #tpu.memory_space<vmem>>)
      %dma_wait3A_132 = arith.constant 4 : i32
      %dma_wait3A_133 = arith.constant 400 : i32
      %dma_wait3A_134 = arith.constant 0 : i32
      %dma_wait3A_135 = tpu.memref_slice %arg8[%dma_wait3A_133, %dma_wait3A_134] : memref<800x64xf32, #tpu.memory_space<vmem>> -> memref<100x64xf32, #tpu.memory_space<vmem>>
      %dma_wait3A_136 = arith.constant 0 : i32
      %dma_wait3A_137 = tpu.memref_slice %arg7[%dma_wait3A_132, %dma_wait3A_136] : memref<8x100xi32, #tpu.memory_space<vmem>> -> memref<1x100xi32, #tpu.memory_space<vmem>>
      %dma_wait3A_138 = tpu.memref_squeeze %dma_wait3A_137 : memref<1x100xi32, #tpu.memory_space<vmem>> -> memref<100xi32, #tpu.memory_space<vmem>>
      %dma_wait3A_139 = arith.constant 0 : i32
      %dma_wait3A_140 = arith.constant 0 : i32
      %dma_wait3A_141 = tpu.memref_slice %arg3[%dma_wait3A_139, %dma_wait3A_140] : memref<1000000x64xf32, #tpu.memory_space<hbm>> -> memref<1000000x64xf32, #tpu.memory_space<hbm>>
      tpu.wait_indirect_dma semaphore(%arg9 : memref<!tpu.dma_semaphore, #tpu.memory_space<semaphore_mem>>) src(%dma_wait3A_141 : memref<1000000x64xf32, #tpu.memory_space<hbm>>) dst(%dma_wait3A_135 : memref<100x64xf32, #tpu.memory_space<vmem>>)
      %dma_wait3A_142 = arith.constant 5 : i32
      %dma_wait3A_143 = arith.constant 500 : i32
      %dma_wait3A_144 = arith.constant 0 : i32
      %dma_wait3A_145 = tpu.memref_slice %arg8[%dma_wait3A_143, %dma_wait3A_144] : memref<800x64xf32, #tpu.memory_space<vmem>> -> memref<100x64xf32, #tpu.memory_space<vmem>>
      %dma_wait3A_146 = arith.constant 0 : i32
      %dma_wait3A_147 = tpu.memref_slice %arg7[%dma_wait3A_142, %dma_wait3A_146] : memref<8x100xi32, #tpu.memory_space<vmem>> -> memref<1x100xi32, #tpu.memory_space<vmem>>
      %dma_wait3A_148 = tpu.memref_squeeze %dma_wait3A_147 : memref<1x100xi32, #tpu.memory_space<vmem>> -> memref<100xi32, #tpu.memory_space<vmem>>
      %dma_wait3A_149 = arith.constant 0 : i32
      %dma_wait3A_150 = arith.constant 0 : i32
      %dma_wait3A_151 = tpu.memref_slice %arg3[%dma_wait3A_149, %dma_wait3A_150] : memref<1000000x64xf32, #tpu.memory_space<hbm>> -> memref<1000000x64xf32, #tpu.memory_space<hbm>>
      tpu.wait_indirect_dma semaphore(%arg9 : memref<!tpu.dma_semaphore, #tpu.memory_space<semaphore_mem>>) src(%dma_wait3A_151 : memref<1000000x64xf32, #tpu.memory_space<hbm>>) dst(%dma_wait3A_145 : memref<100x64xf32, #tpu.memory_space<vmem>>)
      %dma_wait3A_152 = arith.constant 6 : i32
      %dma_wait3A_153 = arith.constant 600 : i32
      %dma_wait3A_154 = arith.constant 0 : i32
      %dma_wait3A_155 = tpu.memref_slice %arg8[%dma_wait3A_153, %dma_wait3A_154] : memref<800x64xf32, #tpu.memory_space<vmem>> -> memref<100x64xf32, #tpu.memory_space<vmem>>
      %dma_wait3A_156 = arith.constant 0 : i32
      %dma_wait3A_157 = tpu.memref_slice %arg7[%dma_wait3A_152, %dma_wait3A_156] : memref<8x100xi32, #tpu.memory_space<vmem>> -> memref<1x100xi32, #tpu.memory_space<vmem>>
      %dma_wait3A_158 = tpu.memref_squeeze %dma_wait3A_157 : memref<1x100xi32, #tpu.memory_space<vmem>> -> memref<100xi32, #tpu.memory_space<vmem>>
      %dma_wait3A_159 = arith.constant 0 : i32
      %dma_wait3A_160 = arith.constant 0 : i32
      %dma_wait3A_161 = tpu.memref_slice %arg3[%dma_wait3A_159, %dma_wait3A_160] : memref<1000000x64xf32, #tpu.memory_space<hbm>> -> memref<1000000x64xf32, #tpu.memory_space<hbm>>
      tpu.wait_indirect_dma semaphore(%arg9 : memref<!tpu.dma_semaphore, #tpu.memory_space<semaphore_mem>>) src(%dma_wait3A_161 : memref<1000000x64xf32, #tpu.memory_space<hbm>>) dst(%dma_wait3A_155 : memref<100x64xf32, #tpu.memory_space<vmem>>)
      %dma_wait3A_162 = arith.constant 7 : i32
      %dma_wait3A_163 = arith.constant 700 : i32
      %dma_wait3A_164 = arith.constant 0 : i32
      %dma_wait3A_165 = tpu.memref_slice %arg8[%dma_wait3A_163, %dma_wait3A_164] : memref<800x64xf32, #tpu.memory_space<vmem>> -> memref<100x64xf32, #tpu.memory_space<vmem>>
      %dma_wait3A_166 = arith.constant 0 : i32
      %dma_wait3A_167 = tpu.memref_slice %arg7[%dma_wait3A_162, %dma_wait3A_166] : memref<8x100xi32, #tpu.memory_space<vmem>> -> memref<1x100xi32, #tpu.memory_space<vmem>>
      %dma_wait3A_168 = tpu.memref_squeeze %dma_wait3A_167 : memref<1x100xi32, #tpu.memory_space<vmem>> -> memref<100xi32, #tpu.memory_space<vmem>>
      %dma_wait3A_169 = arith.constant 0 : i32
      %dma_wait3A_170 = arith.constant 0 : i32
      %dma_wait3A_171 = tpu.memref_slice %arg3[%dma_wait3A_169, %dma_wait3A_170] : memref<1000000x64xf32, #tpu.memory_space<hbm>> -> memref<1000000x64xf32, #tpu.memory_space<hbm>>
      tpu.wait_indirect_dma semaphore(%arg9 : memref<!tpu.dma_semaphore, #tpu.memory_space<semaphore_mem>>) src(%dma_wait3A_171 : memref<1000000x64xf32, #tpu.memory_space<hbm>>) dst(%dma_wait3A_165 : memref<100x64xf32, #tpu.memory_space<vmem>>)
      %scan3A_172 = arith.constant 0 : i32
      %scan3A_173 = arith.constant 0 : i32
      %scan3A_174 = arith.constant 200 : i32
      %scan3A_175 = arith.addi %scan3A_173, %scan3A_174 : i32
      %scan3A_176 = arith.constant 1 : i32
      scf.for %scan3A_180 = %scan3A_173 to %scan3A_175 step %scan3A_176  : i32 {
        %add3A_181 = arith.constant 0 : i32
        %add3A_182 = arith.addi %add3A_181, %scan3A_180 : i32
        %get3A = arith.index_cast %add3A_182 : i32 to index
        %get3A_183 = arith.constant 0 : index
        %get3A_184 = tpu.vector_load %arg8[%get3A, %get3A_183] {strides = array<i32>} : memref<800x64xf32, #tpu.memory_space<vmem>>, vector<1x16xf32>,
        %get3A_185 = vector.shape_cast %get3A_184 : vector<1x16xf32> to vector<16xf32>
        %get3A_186 = arith.index_cast %scan3A_180 : i32 to index
        %get3A_187 = arith.constant 0 : index
        %get3A_188 = tpu.vector_load %arg6[%get3A_186, %get3A_187] {strides = array<i32>} : memref<200x64xf32, #tpu.memory_space<vmem>>, vector<1x16xf32>,
        %get3A_189 = vector.shape_cast %get3A_188 : vector<1x16xf32> to vector<16xf32>
        %add3A_190 = arith.addf %get3A_185, %get3A_189 : vector<16xf32>
        %add3A_191 = arith.constant 0 : i32
        %add3A_192 = arith.addi %add3A_191, %scan3A_180 : i32
        %swap3A = arith.index_cast %add3A_192 : i32 to index
        %swap3A_193 = arith.constant 0 : index
        %swap3A_194 = tpu.vector_load %arg8[%swap3A, %swap3A_193] {strides = array<i32>} : memref<800x64xf32, #tpu.memory_space<vmem>>, vector<1x16xf32>,
        %swap3A_195 = vector.shape_cast %swap3A_194 : vector<1x16xf32> to vector<16xf32>
        %swap3A_196 = vector.shape_cast %add3A_190 : vector<16xf32> to vector<1x16xf32>
        tpu.vector_store %arg8[%swap3A, %swap3A_193], %swap3A_196 {strides = array<i32>} : memref<800x64xf32, #tpu.memory_space<vmem>>, vector<1x16xf32>,
        %add3A_197 = arith.constant 0 : i32
        %add3A_198 = arith.addi %add3A_197, %scan3A_180 : i32
        %get3A_199 = arith.index_cast %add3A_198 : i32 to index
        %get3A_200 = arith.constant 16 : index
        %get3A_201 = tpu.vector_load %arg8[%get3A_199, %get3A_200] {strides = array<i32>} : memref<800x64xf32, #tpu.memory_space<vmem>>, vector<1x16xf32>,
        %get3A_202 = vector.shape_cast %get3A_201 : vector<1x16xf32> to vector<16xf32>
        %get3A_203 = arith.index_cast %scan3A_180 : i32 to index
        %get3A_204 = arith.constant 16 : index
        %get3A_205 = tpu.vector_load %arg6[%get3A_203, %get3A_204] {strides = array<i32>} : memref<200x64xf32, #tpu.memory_space<vmem>>, vector<1x16xf32>,
        %get3A_206 = vector.shape_cast %get3A_205 : vector<1x16xf32> to vector<16xf32>
        %add3A_207 = arith.addf %get3A_202, %get3A_206 : vector<16xf32>
        %add3A_208 = arith.constant 0 : i32
        %add3A_209 = arith.addi %add3A_208, %scan3A_180 : i32
        %swap3A_210 = arith.index_cast %add3A_209 : i32 to index
        %swap3A_211 = arith.constant 16 : index
        %swap3A_212 = tpu.vector_load %arg8[%swap3A_210, %swap3A_211] {strides = array<i32>} : memref<800x64xf32, #tpu.memory_space<vmem>>, vector<1x16xf32>,
        %swap3A_213 = vector.shape_cast %swap3A_212 : vector<1x16xf32> to vector<16xf32>
        %swap3A_214 = vector.shape_cast %add3A_207 : vector<16xf32> to vector<1x16xf32>
        tpu.vector_store %arg8[%swap3A_210, %swap3A_211], %swap3A_214 {strides = array<i32>} : memref<800x64xf32, #tpu.memory_space<vmem>>, vector<1x16xf32>,
        %add3A_215 = arith.constant 0 : i32
        %add3A_216 = arith.addi %add3A_215, %scan3A_180 : i32
        %get3A_217 = arith.index_cast %add3A_216 : i32 to index
        %get3A_218 = arith.constant 32 : index
        %get3A_219 = tpu.vector_load %arg8[%get3A_217, %get3A_218] {strides = array<i32>} : memref<800x64xf32, #tpu.memory_space<vmem>>, vector<1x16xf32>,
        %get3A_220 = vector.shape_cast %get3A_219 : vector<1x16xf32> to vector<16xf32>
        %get3A_221 = arith.index_cast %scan3A_180 : i32 to index
        %get3A_222 = arith.constant 32 : index
        %get3A_223 = tpu.vector_load %arg6[%get3A_221, %get3A_222] {strides = array<i32>} : memref<200x64xf32, #tpu.memory_space<vmem>>, vector<1x16xf32>,
        %get3A_224 = vector.shape_cast %get3A_223 : vector<1x16xf32> to vector<16xf32>
        %add3A_225 = arith.addf %get3A_220, %get3A_224 : vector<16xf32>
        %add3A_226 = arith.constant 0 : i32
        %add3A_227 = arith.addi %add3A_226, %scan3A_180 : i32
        %swap3A_228 = arith.index_cast %add3A_227 : i32 to index
        %swap3A_229 = arith.constant 32 : index
        %swap3A_230 = tpu.vector_load %arg8[%swap3A_228, %swap3A_229] {strides = array<i32>} : memref<800x64xf32, #tpu.memory_space<vmem>>, vector<1x16xf32>,
        %swap3A_231 = vector.shape_cast %swap3A_230 : vector<1x16xf32> to vector<16xf32>
        %swap3A_232 = vector.shape_cast %add3A_225 : vector<16xf32> to vector<1x16xf32>
        tpu.vector_store %arg8[%swap3A_228, %swap3A_229], %swap3A_232 {strides = array<i32>} : memref<800x64xf32, #tpu.memory_space<vmem>>, vector<1x16xf32>,
        %add3A_233 = arith.constant 0 : i32
        %add3A_234 = arith.addi %add3A_233, %scan3A_180 : i32
        %get3A_235 = arith.index_cast %add3A_234 : i32 to index
        %get3A_236 = arith.constant 48 : index
        %get3A_237 = tpu.vector_load %arg8[%get3A_235, %get3A_236] {strides = array<i32>} : memref<800x64xf32, #tpu.memory_space<vmem>>, vector<1x16xf32>,
        %get3A_238 = vector.shape_cast %get3A_237 : vector<1x16xf32> to vector<16xf32>
        %get3A_239 = arith.index_cast %scan3A_180 : i32 to index
        %get3A_240 = arith.constant 48 : index
        %get3A_241 = tpu.vector_load %arg6[%get3A_239, %get3A_240] {strides = array<i32>} : memref<200x64xf32, #tpu.memory_space<vmem>>, vector<1x16xf32>,
        %get3A_242 = vector.shape_cast %get3A_241 : vector<1x16xf32> to vector<16xf32>
        %add3A_243 = arith.addf %get3A_238, %get3A_242 : vector<16xf32>
        %add3A_244 = arith.constant 0 : i32
        %add3A_245 = arith.addi %add3A_244, %scan3A_180 : i32
        %swap3A_246 = arith.index_cast %add3A_245 : i32 to index
        %swap3A_247 = arith.constant 48 : index
        %swap3A_248 = tpu.vector_load %arg8[%swap3A_246, %swap3A_247] {strides = array<i32>} : memref<800x64xf32, #tpu.memory_space<vmem>>, vector<1x16xf32>,
        %swap3A_249 = vector.shape_cast %swap3A_248 : vector<1x16xf32> to vector<16xf32>
        %swap3A_250 = vector.shape_cast %add3A_243 : vector<16xf32> to vector<1x16xf32>
        tpu.vector_store %arg8[%swap3A_246, %swap3A_247], %swap3A_250 {strides = array<i32>} : memref<800x64xf32, #tpu.memory_space<vmem>>, vector<1x16xf32>,
        %add3A_251 = arith.constant 200 : i32
        %add3A_252 = arith.addi %add3A_251, %scan3A_180 : i32
        %get3A_253 = arith.index_cast %add3A_252 : i32 to index
        %get3A_254 = arith.constant 0 : index
        %get3A_255 = tpu.vector_load %arg8[%get3A_253, %get3A_254] {strides = array<i32>} : memref<800x64xf32, #tpu.memory_space<vmem>>, vector<1x16xf32>,
        %get3A_256 = vector.shape_cast %get3A_255 : vector<1x16xf32> to vector<16xf32>
        %get3A_257 = arith.index_cast %scan3A_180 : i32 to index
        %get3A_258 = arith.constant 0 : index
        %get3A_259 = tpu.vector_load %arg6[%get3A_257, %get3A_258] {strides = array<i32>} : memref<200x64xf32, #tpu.memory_space<vmem>>, vector<1x16xf32>,
        %get3A_260 = vector.shape_cast %get3A_259 : vector<1x16xf32> to vector<16xf32>
        %add3A_261 = arith.addf %get3A_256, %get3A_260 : vector<16xf32>
        %add3A_262 = arith.constant 200 : i32
        %add3A_263 = arith.addi %add3A_262, %scan3A_180 : i32
        %swap3A_264 = arith.index_cast %add3A_263 : i32 to index
        %swap3A_265 = arith.constant 0 : index
        %swap3A_266 = tpu.vector_load %arg8[%swap3A_264, %swap3A_265] {strides = array<i32>} : memref<800x64xf32, #tpu.memory_space<vmem>>, vector<1x16xf32>,
        %swap3A_267 = vector.shape_cast %swap3A_266 : vector<1x16xf32> to vector<16xf32>
        %swap3A_268 = vector.shape_cast %add3A_261 : vector<16xf32> to vector<1x16xf32>
        tpu.vector_store %arg8[%swap3A_264, %swap3A_265], %swap3A_268 {strides = array<i32>} : memref<800x64xf32, #tpu.memory_space<vmem>>, vector<1x16xf32>,
        %add3A_269 = arith.constant 200 : i32
        %add3A_270 = arith.addi %add3A_269, %scan3A_180 : i32
        %get3A_271 = arith.index_cast %add3A_270 : i32 to index
        %get3A_272 = arith.constant 16 : index
        %get3A_273 = tpu.vector_load %arg8[%get3A_271, %get3A_272] {strides = array<i32>} : memref<800x64xf32, #tpu.memory_space<vmem>>, vector<1x16xf32>,
        %get3A_274 = vector.shape_cast %get3A_273 : vector<1x16xf32> to vector<16xf32>
        %get3A_275 = arith.index_cast %scan3A_180 : i32 to index
        %get3A_276 = arith.constant 16 : index
        %get3A_277 = tpu.vector_load %arg6[%get3A_275, %get3A_276] {strides = array<i32>} : memref<200x64xf32, #tpu.memory_space<vmem>>, vector<1x16xf32>,
        %get3A_278 = vector.shape_cast %get3A_277 : vector<1x16xf32> to vector<16xf32>
        %add3A_279 = arith.addf %get3A_274, %get3A_278 : vector<16xf32>
        %add3A_280 = arith.constant 200 : i32
        %add3A_281 = arith.addi %add3A_280, %scan3A_180 : i32
        %swap3A_282 = arith.index_cast %add3A_281 : i32 to index
        %swap3A_283 = arith.constant 16 : index
        %swap3A_284 = tpu.vector_load %arg8[%swap3A_282, %swap3A_283] {strides = array<i32>} : memref<800x64xf32, #tpu.memory_space<vmem>>, vector<1x16xf32>,
        %swap3A_285 = vector.shape_cast %swap3A_284 : vector<1x16xf32> to vector<16xf32>
        %swap3A_286 = vector.shape_cast %add3A_279 : vector<16xf32> to vector<1x16xf32>
        tpu.vector_store %arg8[%swap3A_282, %swap3A_283], %swap3A_286 {strides = array<i32>} : memref<800x64xf32, #tpu.memory_space<vmem>>, vector<1x16xf32>,
        %add3A_287 = arith.constant 200 : i32
        %add3A_288 = arith.addi %add3A_287, %scan3A_180 : i32
        %get3A_289 = arith.index_cast %add3A_288 : i32 to index
        %get3A_290 = arith.constant 32 : index
        %get3A_291 = tpu.vector_load %arg8[%get3A_289, %get3A_290] {strides = array<i32>} : memref<800x64xf32, #tpu.memory_space<vmem>>, vector<1x16xf32>,
        %get3A_292 = vector.shape_cast %get3A_291 : vector<1x16xf32> to vector<16xf32>
        %get3A_293 = arith.index_cast %scan3A_180 : i32 to index
        %get3A_294 = arith.constant 32 : index
        %get3A_295 = tpu.vector_load %arg6[%get3A_293, %get3A_294] {strides = array<i32>} : memref<200x64xf32, #tpu.memory_space<vmem>>, vector<1x16xf32>,
        %get3A_296 = vector.shape_cast %get3A_295 : vector<1x16xf32> to vector<16xf32>
        %add3A_297 = arith.addf %get3A_292, %get3A_296 : vector<16xf32>
        %add3A_298 = arith.constant 200 : i32
        %add3A_299 = arith.addi %add3A_298, %scan3A_180 : i32
        %swap3A_300 = arith.index_cast %add3A_299 : i32 to index
        %swap3A_301 = arith.constant 32 : index
        %swap3A_302 = tpu.vector_load %arg8[%swap3A_300, %swap3A_301] {strides = array<i32>} : memref<800x64xf32, #tpu.memory_space<vmem>>, vector<1x16xf32>,
        %swap3A_303 = vector.shape_cast %swap3A_302 : vector<1x16xf32> to vector<16xf32>
        %swap3A_304 = vector.shape_cast %add3A_297 : vector<16xf32> to vector<1x16xf32>
        tpu.vector_store %arg8[%swap3A_300, %swap3A_301], %swap3A_304 {strides = array<i32>} : memref<800x64xf32, #tpu.memory_space<vmem>>, vector<1x16xf32>,
        %add3A_305 = arith.constant 200 : i32
        %add3A_306 = arith.addi %add3A_305, %scan3A_180 : i32
        %get3A_307 = arith.index_cast %add3A_306 : i32 to index
        %get3A_308 = arith.constant 48 : index
        %get3A_309 = tpu.vector_load %arg8[%get3A_307, %get3A_308] {strides = array<i32>} : memref<800x64xf32, #tpu.memory_space<vmem>>, vector<1x16xf32>,
        %get3A_310 = vector.shape_cast %get3A_309 : vector<1x16xf32> to vector<16xf32>
        %get3A_311 = arith.index_cast %scan3A_180 : i32 to index
        %get3A_312 = arith.constant 48 : index
        %get3A_313 = tpu.vector_load %arg6[%get3A_311, %get3A_312] {strides = array<i32>} : memref<200x64xf32, #tpu.memory_space<vmem>>, vector<1x16xf32>,
        %get3A_314 = vector.shape_cast %get3A_313 : vector<1x16xf32> to vector<16xf32>
        %add3A_315 = arith.addf %get3A_310, %get3A_314 : vector<16xf32>
        %add3A_316 = arith.constant 200 : i32
        %add3A_317 = arith.addi %add3A_316, %scan3A_180 : i32
        %swap3A_318 = arith.index_cast %add3A_317 : i32 to index
        %swap3A_319 = arith.constant 48 : index
        %swap3A_320 = tpu.vector_load %arg8[%swap3A_318, %swap3A_319] {strides = array<i32>} : memref<800x64xf32, #tpu.memory_space<vmem>>, vector<1x16xf32>,
        %swap3A_321 = vector.shape_cast %swap3A_320 : vector<1x16xf32> to vector<16xf32>
        %swap3A_322 = vector.shape_cast %add3A_315 : vector<16xf32> to vector<1x16xf32>
        tpu.vector_store %arg8[%swap3A_318, %swap3A_319], %swap3A_322 {strides = array<i32>} : memref<800x64xf32, #tpu.memory_space<vmem>>, vector<1x16xf32>,
        %add3A_323 = arith.constant 400 : i32
        %add3A_324 = arith.addi %add3A_323, %scan3A_180 : i32
        %get3A_325 = arith.index_cast %add3A_324 : i32 to index
        %get3A_326 = arith.constant 0 : index
        %get3A_327 = tpu.vector_load %arg8[%get3A_325, %get3A_326] {strides = array<i32>} : memref<800x64xf32, #tpu.memory_space<vmem>>, vector<1x16xf32>,
        %get3A_328 = vector.shape_cast %get3A_327 : vector<1x16xf32> to vector<16xf32>
        %get3A_329 = arith.index_cast %scan3A_180 : i32 to index
        %get3A_330 = arith.constant 0 : index
        %get3A_331 = tpu.vector_load %arg6[%get3A_329, %get3A_330] {strides = array<i32>} : memref<200x64xf32, #tpu.memory_space<vmem>>, vector<1x16xf32>,
        %get3A_332 = vector.shape_cast %get3A_331 : vector<1x16xf32> to vector<16xf32>
        %add3A_333 = arith.addf %get3A_328, %get3A_332 : vector<16xf32>
        %add3A_334 = arith.constant 400 : i32
        %add3A_335 = arith.addi %add3A_334, %scan3A_180 : i32
        %swap3A_336 = arith.index_cast %add3A_335 : i32 to index
        %swap3A_337 = arith.constant 0 : index
        %swap3A_338 = tpu.vector_load %arg8[%swap3A_336, %swap3A_337] {strides = array<i32>} : memref<800x64xf32, #tpu.memory_space<vmem>>, vector<1x16xf32>,
        %swap3A_339 = vector.shape_cast %swap3A_338 : vector<1x16xf32> to vector<16xf32>
        %swap3A_340 = vector.shape_cast %add3A_333 : vector<16xf32> to vector<1x16xf32>
        tpu.vector_store %arg8[%swap3A_336, %swap3A_337], %swap3A_340 {strides = array<i32>} : memref<800x64xf32, #tpu.memory_space<vmem>>, vector<1x16xf32>,
        %add3A_341 = arith.constant 400 : i32
        %add3A_342 = arith.addi %add3A_341, %scan3A_180 : i32
        %get3A_343 = arith.index_cast %add3A_342 : i32 to index
        %get3A_344 = arith.constant 16 : index
        %get3A_345 = tpu.vector_load %arg8[%get3A_343, %get3A_344] {strides = array<i32>} : memref<800x64xf32, #tpu.memory_space<vmem>>, vector<1x16xf32>,
        %get3A_346 = vector.shape_cast %get3A_345 : vector<1x16xf32> to vector<16xf32>
        %get3A_347 = arith.index_cast %scan3A_180 : i32 to index
        %get3A_348 = arith.constant 16 : index
        %get3A_349 = tpu.vector_load %arg6[%get3A_347, %get3A_348] {strides = array<i32>} : memref<200x64xf32, #tpu.memory_space<vmem>>, vector<1x16xf32>,
        %get3A_350 = vector.shape_cast %get3A_349 : vector<1x16xf32> to vector<16xf32>
        %add3A_351 = arith.addf %get3A_346, %get3A_350 : vector<16xf32>
        %add3A_352 = arith.constant 400 : i32
        %add3A_353 = arith.addi %add3A_352, %scan3A_180 : i32
        %swap3A_354 = arith.index_cast %add3A_353 : i32 to index
        %swap3A_355 = arith.constant 16 : index
        %swap3A_356 = tpu.vector_load %arg8[%swap3A_354, %swap3A_355] {strides = array<i32>} : memref<800x64xf32, #tpu.memory_space<vmem>>, vector<1x16xf32>,
        %swap3A_357 = vector.shape_cast %swap3A_356 : vector<1x16xf32> to vector<16xf32>
        %swap3A_358 = vector.shape_cast %add3A_351 : vector<16xf32> to vector<1x16xf32>
        tpu.vector_store %arg8[%swap3A_354, %swap3A_355], %swap3A_358 {strides = array<i32>} : memref<800x64xf32, #tpu.memory_space<vmem>>, vector<1x16xf32>,
        %add3A_359 = arith.constant 400 : i32
        %add3A_360 = arith.addi %add3A_359, %scan3A_180 : i32
        %get3A_361 = arith.index_cast %add3A_360 : i32 to index
        %get3A_362 = arith.constant 32 : index
        %get3A_363 = tpu.vector_load %arg8[%get3A_361, %get3A_362] {strides = array<i32>} : memref<800x64xf32, #tpu.memory_space<vmem>>, vector<1x16xf32>,
        %get3A_364 = vector.shape_cast %get3A_363 : vector<1x16xf32> to vector<16xf32>
        %get3A_365 = arith.index_cast %scan3A_180 : i32 to index
        %get3A_366 = arith.constant 32 : index
        %get3A_367 = tpu.vector_load %arg6[%get3A_365, %get3A_366] {strides = array<i32>} : memref<200x64xf32, #tpu.memory_space<vmem>>, vector<1x16xf32>,
        %get3A_368 = vector.shape_cast %get3A_367 : vector<1x16xf32> to vector<16xf32>
        %add3A_369 = arith.addf %get3A_364, %get3A_368 : vector<16xf32>
        %add3A_370 = arith.constant 400 : i32
        %add3A_371 = arith.addi %add3A_370, %scan3A_180 : i32
        %swap3A_372 = arith.index_cast %add3A_371 : i32 to index
        %swap3A_373 = arith.constant 32 : index
        %swap3A_374 = tpu.vector_load %arg8[%swap3A_372, %swap3A_373] {strides = array<i32>} : memref<800x64xf32, #tpu.memory_space<vmem>>, vector<1x16xf32>,
        %swap3A_375 = vector.shape_cast %swap3A_374 : vector<1x16xf32> to vector<16xf32>
        %swap3A_376 = vector.shape_cast %add3A_369 : vector<16xf32> to vector<1x16xf32>
        tpu.vector_store %arg8[%swap3A_372, %swap3A_373], %swap3A_376 {strides = array<i32>} : memref<800x64xf32, #tpu.memory_space<vmem>>, vector<1x16xf32>,
        %add3A_377 = arith.constant 400 : i32
        %add3A_378 = arith.addi %add3A_377, %scan3A_180 : i32
        %get3A_379 = arith.index_cast %add3A_378 : i32 to index
        %get3A_380 = arith.constant 48 : index
        %get3A_381 = tpu.vector_load %arg8[%get3A_379, %get3A_380] {strides = array<i32>} : memref<800x64xf32, #tpu.memory_space<vmem>>, vector<1x16xf32>,
        %get3A_382 = vector.shape_cast %get3A_381 : vector<1x16xf32> to vector<16xf32>
        %get3A_383 = arith.index_cast %scan3A_180 : i32 to index
        %get3A_384 = arith.constant 48 : index
        %get3A_385 = tpu.vector_load %arg6[%get3A_383, %get3A_384] {strides = array<i32>} : memref<200x64xf32, #tpu.memory_space<vmem>>, vector<1x16xf32>,
        %get3A_386 = vector.shape_cast %get3A_385 : vector<1x16xf32> to vector<16xf32>
        %add3A_387 = arith.addf %get3A_382, %get3A_386 : vector<16xf32>
        %add3A_388 = arith.constant 400 : i32
        %add3A_389 = arith.addi %add3A_388, %scan3A_180 : i32
        %swap3A_390 = arith.index_cast %add3A_389 : i32 to index
        %swap3A_391 = arith.constant 48 : index
        %swap3A_392 = tpu.vector_load %arg8[%swap3A_390, %swap3A_391] {strides = array<i32>} : memref<800x64xf32, #tpu.memory_space<vmem>>, vector<1x16xf32>,
        %swap3A_393 = vector.shape_cast %swap3A_392 : vector<1x16xf32> to vector<16xf32>
        %swap3A_394 = vector.shape_cast %add3A_387 : vector<16xf32> to vector<1x16xf32>
        tpu.vector_store %arg8[%swap3A_390, %swap3A_391], %swap3A_394 {strides = array<i32>} : memref<800x64xf32, #tpu.memory_space<vmem>>, vector<1x16xf32>,
        %add3A_395 = arith.constant 600 : i32
        %add3A_396 = arith.addi %add3A_395, %scan3A_180 : i32
        %get3A_397 = arith.index_cast %add3A_396 : i32 to index
        %get3A_398 = arith.constant 0 : index
        %get3A_399 = tpu.vector_load %arg8[%get3A_397, %get3A_398] {strides = array<i32>} : memref<800x64xf32, #tpu.memory_space<vmem>>, vector<1x16xf32>,
        %get3A_400 = vector.shape_cast %get3A_399 : vector<1x16xf32> to vector<16xf32>
        %get3A_401 = arith.index_cast %scan3A_180 : i32 to index
        %get3A_402 = arith.constant 0 : index
        %get3A_403 = tpu.vector_load %arg6[%get3A_401, %get3A_402] {strides = array<i32>} : memref<200x64xf32, #tpu.memory_space<vmem>>, vector<1x16xf32>,
        %get3A_404 = vector.shape_cast %get3A_403 : vector<1x16xf32> to vector<16xf32>
        %add3A_405 = arith.addf %get3A_400, %get3A_404 : vector<16xf32>
        %add3A_406 = arith.constant 600 : i32
        %add3A_407 = arith.addi %add3A_406, %scan3A_180 : i32
        %swap3A_408 = arith.index_cast %add3A_407 : i32 to index
        %swap3A_409 = arith.constant 0 : index
        %swap3A_410 = tpu.vector_load %arg8[%swap3A_408, %swap3A_409] {strides = array<i32>} : memref<800x64xf32, #tpu.memory_space<vmem>>, vector<1x16xf32>,
        %swap3A_411 = vector.shape_cast %swap3A_410 : vector<1x16xf32> to vector<16xf32>
        %swap3A_412 = vector.shape_cast %add3A_405 : vector<16xf32> to vector<1x16xf32>
        tpu.vector_store %arg8[%swap3A_408, %swap3A_409], %swap3A_412 {strides = array<i32>} : memref<800x64xf32, #tpu.memory_space<vmem>>, vector<1x16xf32>,
        %add3A_413 = arith.constant 600 : i32
        %add3A_414 = arith.addi %add3A_413, %scan3A_180 : i32
        %get3A_415 = arith.index_cast %add3A_414 : i32 to index
        %get3A_416 = arith.constant 16 : index
        %get3A_417 = tpu.vector_load %arg8[%get3A_415, %get3A_416] {strides = array<i32>} : memref<800x64xf32, #tpu.memory_space<vmem>>, vector<1x16xf32>,
        %get3A_418 = vector.shape_cast %get3A_417 : vector<1x16xf32> to vector<16xf32>
        %get3A_419 = arith.index_cast %scan3A_180 : i32 to index
        %get3A_420 = arith.constant 16 : index
        %get3A_421 = tpu.vector_load %arg6[%get3A_419, %get3A_420] {strides = array<i32>} : memref<200x64xf32, #tpu.memory_space<vmem>>, vector<1x16xf32>,
        %get3A_422 = vector.shape_cast %get3A_421 : vector<1x16xf32> to vector<16xf32>
        %add3A_423 = arith.addf %get3A_418, %get3A_422 : vector<16xf32>
        %add3A_424 = arith.constant 600 : i32
        %add3A_425 = arith.addi %add3A_424, %scan3A_180 : i32
        %swap3A_426 = arith.index_cast %add3A_425 : i32 to index
        %swap3A_427 = arith.constant 16 : index
        %swap3A_428 = tpu.vector_load %arg8[%swap3A_426, %swap3A_427] {strides = array<i32>} : memref<800x64xf32, #tpu.memory_space<vmem>>, vector<1x16xf32>,
        %swap3A_429 = vector.shape_cast %swap3A_428 : vector<1x16xf32> to vector<16xf32>
        %swap3A_430 = vector.shape_cast %add3A_423 : vector<16xf32> to vector<1x16xf32>
        tpu.vector_store %arg8[%swap3A_426, %swap3A_427], %swap3A_430 {strides = array<i32>} : memref<800x64xf32, #tpu.memory_space<vmem>>, vector<1x16xf32>,
        %add3A_431 = arith.constant 600 : i32
        %add3A_432 = arith.addi %add3A_431, %scan3A_180 : i32
        %get3A_433 = arith.index_cast %add3A_432 : i32 to index
        %get3A_434 = arith.constant 32 : index
        %get3A_435 = tpu.vector_load %arg8[%get3A_433, %get3A_434] {strides = array<i32>} : memref<800x64xf32, #tpu.memory_space<vmem>>, vector<1x16xf32>,
        %get3A_436 = vector.shape_cast %get3A_435 : vector<1x16xf32> to vector<16xf32>
        %get3A_437 = arith.index_cast %scan3A_180 : i32 to index
        %get3A_438 = arith.constant 32 : index
        %get3A_439 = tpu.vector_load %arg6[%get3A_437, %get3A_438] {strides = array<i32>} : memref<200x64xf32, #tpu.memory_space<vmem>>, vector<1x16xf32>,
        %get3A_440 = vector.shape_cast %get3A_439 : vector<1x16xf32> to vector<16xf32>
        %add3A_441 = arith.addf %get3A_436, %get3A_440 : vector<16xf32>
        %add3A_442 = arith.constant 600 : i32
        %add3A_443 = arith.addi %add3A_442, %scan3A_180 : i32
        %swap3A_444 = arith.index_cast %add3A_443 : i32 to index
        %swap3A_445 = arith.constant 32 : index
        %swap3A_446 = tpu.vector_load %arg8[%swap3A_444, %swap3A_445] {strides = array<i32>} : memref<800x64xf32, #tpu.memory_space<vmem>>, vector<1x16xf32>,
        %swap3A_447 = vector.shape_cast %swap3A_446 : vector<1x16xf32> to vector<16xf32>
        %swap3A_448 = vector.shape_cast %add3A_441 : vector<16xf32> to vector<1x16xf32>
        tpu.vector_store %arg8[%swap3A_444, %swap3A_445], %swap3A_448 {strides = array<i32>} : memref<800x64xf32, #tpu.memory_space<vmem>>, vector<1x16xf32>,
        %add3A_449 = arith.constant 600 : i32
        %add3A_450 = arith.addi %add3A_449, %scan3A_180 : i32
        %get3A_451 = arith.index_cast %add3A_450 : i32 to index
        %get3A_452 = arith.constant 48 : index
        %get3A_453 = tpu.vector_load %arg8[%get3A_451, %get3A_452] {strides = array<i32>} : memref<800x64xf32, #tpu.memory_space<vmem>>, vector<1x16xf32>,
        %get3A_454 = vector.shape_cast %get3A_453 : vector<1x16xf32> to vector<16xf32>
        %get3A_455 = arith.index_cast %scan3A_180 : i32 to index
        %get3A_456 = arith.constant 48 : index
        %get3A_457 = tpu.vector_load %arg6[%get3A_455, %get3A_456] {strides = array<i32>} : memref<200x64xf32, #tpu.memory_space<vmem>>, vector<1x16xf32>,
        %get3A_458 = vector.shape_cast %get3A_457 : vector<1x16xf32> to vector<16xf32>
        %add3A_459 = arith.addf %get3A_454, %get3A_458 : vector<16xf32>
        %add3A_460 = arith.constant 600 : i32
        %add3A_461 = arith.addi %add3A_460, %scan3A_180 : i32
        %swap3A_462 = arith.index_cast %add3A_461 : i32 to index
        %swap3A_463 = arith.constant 48 : index
        %swap3A_464 = tpu.vector_load %arg8[%swap3A_462, %swap3A_463] {strides = array<i32>} : memref<800x64xf32, #tpu.memory_space<vmem>>, vector<1x16xf32>,
        %swap3A_465 = vector.shape_cast %swap3A_464 : vector<1x16xf32> to vector<16xf32>
        %swap3A_466 = vector.shape_cast %add3A_459 : vector<16xf32> to vector<1x16xf32>
        tpu.vector_store %arg8[%swap3A_462, %swap3A_463], %swap3A_466 {strides = array<i32>} : memref<800x64xf32, #tpu.memory_space<vmem>>, vector<1x16xf32>,
      }
      %scan3A_177 = arith.constant 200 : i32
      %mul3A_178 = arith.constant 200 : i32
      %mul3A_179 = arith.muli %add3A_11, %mul3A_178 : i32
      "tpu.region"() ({
        %run_scoped3A = tpu.sem_alloc : memref<!tpu.dma_semaphore, #tpu.memory_space<semaphore_mem>>
        %dma_start3A_180 = arith.constant 0 : i32
        %dma_start3A_181 = tpu.memref_slice %arg5[%mul3A_179, %dma_start3A_180] : memref<819200x64xf32, #tpu.memory_space<hbm>> -> memref<800x64xf32, #tpu.memory_space<hbm>>
        %dma_start3A_182 = arith.constant 0 : i32
        %dma_start3A_183 = tpu.memref_slice %arg5[%mul3A_179, %dma_start3A_182] : memref<819200x64xf32, #tpu.memory_space<hbm>> -> memref<800x64xf32, #tpu.memory_space<hbm>>
        tpu.enqueue_dma source(%arg8 : memref<800x64xf32, #tpu.memory_space<vmem>>) target(%dma_start3A_183 : memref<800x64xf32, #tpu.memory_space<hbm>>) target_semaphore(%run_scoped3A : memref<!tpu.dma_semaphore, #tpu.memory_space<semaphore_mem>>)
        %dma_wait3A_184 = arith.constant 0 : i32
        %dma_wait3A_185 = tpu.memref_slice %arg5[%mul3A_179, %dma_wait3A_184] : memref<819200x64xf32, #tpu.memory_space<hbm>> -> memref<800x64xf32, #tpu.memory_space<hbm>>
        %dma_wait3A_186 = arith.constant 0 : i32
        %dma_wait3A_187 = tpu.memref_slice %arg5[%mul3A_179, %dma_wait3A_186] : memref<819200x64xf32, #tpu.memory_space<hbm>> -> memref<800x64xf32, #tpu.memory_space<hbm>>
        tpu.wait_dma2 semaphore(%run_scoped3A : memref<!tpu.dma_semaphore, #tpu.memory_space<semaphore_mem>>) src(%arg8 : memref<800x64xf32, #tpu.memory_space<vmem>>) dst(%dma_wait3A_187 : memref<800x64xf32, #tpu.memory_space<hbm>>)
        tpu.yield
      }) : () -> ()
    }
    %scan3A_7 = arith.constant 32 : i32
    return
  }
}

</mosaic_0001>

<sc_bundles>
// kernel: kernel.3.cloned.1.call-start
scs
__scs_entry_jumppad:
0x0: {  	(pc) =	sbr.rel $0x88, $3  }
0x1: {  	(tag) =	ssettag $0x0;
	lr =	simm.s32 $0x1  }
0x2: {  	[smem:$0x3F9E] =	sst lr;
	_ =	strace $0xD0000000  }
0x3: {  	_ = 	snop  }
0x4: {  	_ = 	snop  }
0x5: {  	_ = 	snop  }
0x6: {  	_ = 	snop  }
0x7: {  	_ = 	snop  }
__scs_overlays_trampoline_lowered:
0x8: {  	[smem:$0x3FAD] =	sst s0  }
0x9: {  	[smem:$0x3FAE] =	sst s1  }
0xa: {  	[smem:$0x3FAF] =	sst s2  }
0xb: {  	[smem:$0x3FB0] =	sst s3  }
0xc: {  	[smem:$0x3FB1] =	sst s4  }
0xd: {  	[smem:$0x3FB2] =	sst s5  }
0xe: {  	[smem:$0x3FB3] =	sst s6  }
0xf: {  	[smem:$0x3FB4] =	sst s7  }
0x10: {  	[smem:$0x3FB5] =	sst s8  }
0x11: {  	[smem:$0x3FB6] =	sst s9;
	s0 =	simm.s32 @!p0 $0x0  }
0x12: {  	s1 =	sld [smem:$0x3F9C];
	s0 =	simm.s32 @p0 $0x1  }
0x13: {  	[smem:$0x3FB7] =	sst s0;
	s0 =	simm.s32 @!p1 $0x0  }
0x14: {  	s2 =	sld [smem:$0x3F9B];
	s0 =	simm.s32 @p1 $0x1  }
0x15: {  	[smem:$0x3FB8] =	sst s0;
	s0 =	simm.s32 @!p2 $0x0  }
0x16: {  	s3 =	sld [smem:$0x3FDB];
	s0 =	simm.s32 @p2 $0x1  }
0x17: {  	s4 =	simm.s32 $0x1BF5;
	[smem:$0x3FBA] =	sst s0  }
0x18: {  	s0 =	sld [smem:$0x3F9D];
	_ =	swait.ge [sflag:s4], $0x0  }
0x19: {  	s7 =	sld [smem:$0x3F9E]  }
0x1a: {  	s8 =	sadd.s32 $0xFFFFE003, lr  }
0x1b: {  	s9 =	sadd.s32 $0xFFFFFEF7, lr;
	s5 =	simm.s32 $0xFFFFFFFF;
	p2 =	slt.u32 s8, $0xFFFFF086  }
0x1c: {  	p1 =	slt.u32 s9, $0xF7A;
	s5 =	simm.s32 @!p2 $0x0  }
0x1d: {  	s5 =	simm.s32 @p1 $0x1;
	p0 =	seq.s32 s7, s2  }
0x1e: {  	s7 =	smul.u32 @!p0 $0xF7A, s2;
	p2 =	seq.s32 @!p0 s5, $0x0  }
0x1f: {  	s9 =	smul.u32 $0xF7A, s1;
	s8 =	simm.s32 @!p0 $0x1BF5;
	p2 =	por !p2, p0  }
0x20: {  	[sflag:s8] =	ssyncset.s32 @!p0 $0xFFFFF086;
	s6 =	sadd.s32 @!p0 s3, s7;
	s7 =	simm.s32 @!p0 $0x108  }
0x21: {  	s3 =	sadd.s32 s3, s9;
	s6 =	sadd.s32 @!p0 $0x88, s6;
	s7 =	simm.s32 @p2 $0x1082  }
0x22: {  	[simem:s7], [sflag:s8] =	dma.local @!p0 [hbm:s6], $0xF7A  }
0x23: {  	s9 =	sor.u32 $0xD0000000, s2;
	s6 =	simm.s32 $0x108;
	_ =	swait.ge @!p0 [sflag:s8], $0x0  }
0x24: {  	s3 =	sadd.s32 $0x88, s3;
	s6 =	simm.s32 @!p1 $0x1082;
	[sflag:s4] =	ssyncset.s32 $0xFFFFF086  }
0x25: {  	[simem:s6], [sflag:s4] =	dma.local [hbm:s3], $0xF7A  }
0x26: {  	[smem:$0x3F9E] =	sst s1;
	(tag) =	ssettag s2;
	_ =	strace s9  }
0x27: {  	s1 =	sld [smem:$0x3FAE]  }
0x28: {  	s2 =	sld [smem:$0x3FAF]  }
0x29: {  	s4 =	sld [smem:$0x3FB1]  }
0x2a: {  	p0 =	seq.s32 s5, $0x0;
	s5 =	sld [smem:$0x3FB2]  }
0x2b: {  	s6 =	sld [smem:$0x3FB3]  }
0x2c: {  	s7 =	sld [smem:$0x3FB4]  }
0x2d: {  	s3 =	simm.s32 $0x108;
	s8 =	sld [smem:$0x3FB5]  }
0x2e: {  	s3 =	simm.s32 @!p0 $0x1082;
	s9 =	sld [smem:$0x3FB6]  }
0x2f: {  	lr =	sadd.s32 s0, s3;
	s0 =	sld [smem:$0x3FAD]  }
0x30: {  	s3 =	sld [smem:$0x3FB0]  }
0x31: {  	[smem:$0x3FB9] =	sst s10  }
0x32: {  	s10 =	sld [smem:$0x3FB7];
	_ =	sdelay $0x3  }
0x33: {  	p0 =	seq.s32 s10, $0x1;
	s10 =	sld [smem:$0x3FB9];
	_ =	sdelay $0x3  }
0x34: {  	[smem:$0x3FB9] =	sst s10  }
0x35: {  	s10 =	sld [smem:$0x3FB8];
	_ =	sdelay $0x3  }
0x36: {  	p1 =	seq.s32 s10, $0x1;
	s10 =	sld [smem:$0x3FB9];
	_ =	sdelay $0x3  }
0x37: {  	[smem:$0x3FB9] =	sst s10  }
0x38: {  	s10 =	sld [smem:$0x3FBA]  }
0x39: {  	_ = 	snop;
	(pc) =	sbr.ind lr, $3  }
0x3a: {  	_ = 	snop  }
0x3b: {  	_ = 	snop  }
0x3c: {  	p2 =	seq.s32 s10, $0x1;
	s10 =	sld [smem:$0x3FB9]  }
0x3d: {  	_ =	shalt  }
0x3e: {  	_ =	shalt  }
0x3f: {  	_ =	shalt  }
0x40: {  	_ =	shalt  }
0x41: {  	_ =	shalt  }
0x42: {  	_ =	shalt  }
0x43: {  	_ =	shalt  }
0x44: {  	_ =	shalt  }
0x45: {  	_ =	shalt  }
0x46: {  	_ =	shalt  }
0x47: {  	_ =	shalt  }
0x48: {  	_ =	shalt  }
0x49: {  	_ =	shalt  }
0x4a: {  	_ =	shalt  }
0x4b: {  	_ =	shalt  }
0x4c: {  	_ =	shalt  }
0x4d: {  	_ =	shalt  }
0x4e: {  	_ =	shalt  }
0x4f: {  	_ =	shalt  }
0x50: {  	_ =	shalt  }
0x51: {  	_ =	shalt  }
0x52: {  	_ =	shalt  }
0x53: {  	_ =	shalt  }
0x54: {  	_ =	shalt  }
0x55: {  	_ =	shalt  }
0x56: {  	_ =	shalt  }
0x57: {  	_ =	shalt  }
0x58: {  	_ =	shalt  }
0x59: {  	_ =	shalt  }
0x5a: {  	_ =	shalt  }
0x5b: {  	_ =	shalt  }
0x5c: {  	_ =	shalt  }
0x5d: {  	_ =	shalt  }
0x5e: {  	_ =	shalt  }
0x5f: {  	_ =	shalt  }
0x60: {  	_ =	shalt  }
0x61: {  	_ =	shalt  }
0x62: {  	_ =	shalt  }
0x63: {  	_ =	shalt  }
0x64: {  	_ =	shalt  }
0x65: {  	_ =	shalt  }
0x66: {  	_ =	shalt  }
0x67: {  	_ =	shalt  }
0x68: {  	_ =	shalt  }
0x69: {  	_ =	shalt  }
0x6a: {  	_ =	shalt  }
0x6b: {  	_ =	shalt  }
0x6c: {  	_ =	shalt  }
0x6d: {  	_ =	shalt  }
0x6e: {  	_ =	shalt  }
0x6f: {  	_ =	shalt  }
0x70: {  	_ =	shalt  }
0x71: {  	_ =	shalt  }
0x72: {  	_ =	shalt  }
0x73: {  	_ =	shalt  }
0x74: {  	_ =	shalt  }
0x75: {  	_ =	shalt  }
0x76: {  	_ =	shalt  }
0x77: {  	_ =	shalt  }
0x78: {  	_ =	shalt  }
0x79: {  	_ =	shalt  }
0x7a: {  	_ =	shalt  }
0x7b: {  	_ =	shalt  }
0x7c: {  	_ =	shalt  }
0x7d: {  	_ =	shalt  }
0x7e: {  	_ =	shalt  }
0x7f: {  	_ =	shalt  }
0x80: {  	_ =	shalt  }
0x81: {  	_ =	shalt  }
0x82: {  	_ =	shalt  }
0x83: {  	_ =	shalt  }
0x84: {  	_ =	shalt  }
0x85: {  	_ =	shalt  }
0x86: {  	_ =	shalt  }
0x87: {  	_ =	shalt  }
.Lfunc_end0:
.L_simem_size_0:
called_computation.1_lowered:
.L_overlay_start_0:
0x88: {  	s2 =	sld [smem:$0x3FD9]  }
0x89: {  	s3 =	sld [smem:$0x3FFE];
	_ =	sdelay $0x1  }
0x8a: {  	s1 =	srdreg.scid  }
0x8b: {  	s0 =	sand.u32 $0x1, s1  }
0x8c: {  	s17 =	sshll.u32 s0, $0xA;
	s2 =	sadd.s32 s3, s2  }
0x8d: {  	s2 =	sadd.s32 s2, s17  }
0x8e: {  	[smem:$0x3FC5] =	sst s2  }
0x8f: {  	_ = 	snop  }
0x90: {  	s2 =	sld [smem:$0x3FD0];
	(tm) =	ssettm $0x1  }
0x91: {  	s18 =	sld [smem:$0x3FFB];
	_ =	sdelay $0x3  }
0x92: {  	_ =	strace s18  }
0x93: {  	s3 =	sld [smem:$0x3FFC];
	_ =	sdelay $0x3  }
0x94: {  	_ =	strace s3  }
0x95: {  	s3 =	sld [smem:$0x3FFD];
	_ =	sdelay $0x3  }
0x96: {  	_ =	strace s3  }
0x97: {  	_ =	strace $0x8FFFFFFF  }
0x98: {  	s19 =	sld [smem:$0x3FDB];
	_ =	sdelay $0x1  }
0x99: {  	s4 =	simm.s32 $_scs_section_size  }
0x9a: {  	s5 =	simm.s32 $_size__tile_overlayer_lowered;
	s6 =	simm.s32 $_tile_overlayer_lowered  }
0x9b: {  	s22 =	simm.s32 $0x1BFF;
	s21 =	sshll.u32 s6, $0x1;
	s3 =	sadd.s32 s4, s19  }
0x9c: {  	s7 =	simm.s32 $0x0;
	s20 =	sshll.u32 s5, $0x1;
	s5 =	sadd.s32 s21, s3  }
0x9d: {  	[timem:s7], [sflag:s22] =	dma.local [hbm:s5], s20  }
0x9e: {  	_ =	swait.ge [sflag:s22], s20  }
0x9f: {  	s4 =	ssub.s32 $0x0, s20;
	[sflag:s22] =	ssyncset.done $0x0  }
0xa0: {  	[sflag:s22] =	ssyncadd.s32 s4;
	_ =	sdelay $0x1  }
0xa1: {  	s23 =	simm.s32 $0x1B8B  }
0xa2: {  	_ =	swait.ge [sflag:s23], $0x1  }
0xa3: {  	[sflag:s23] =	ssyncset.done $0x0  }
0xa4: {  	s25 =	simm.s32 $0x1B8E;
	s24 =	sld [smem:$0x3FFE];
	[sflag:s23] =	ssyncadd.s32 $0xFFFFFFFF  }
0xa5: {  	s26 =	simm.s32 $execute0_lowered;
	[smem:$0x3FD2] =	sst s25  }
0xa6: {  	s5 =	sshll.u32 s26, $0x1;
	_ =	strace $0x80000046;
	[dreg:$0x1] =	wrdreg $0xFFFFFFFF  }
0xa7: {  	s28 =	simm.s32 $_size_execute0_lowered;
	s3 =	sadd.s32 s3, s5;
	[dreg:$0x0] =	wrdreg $0x0  }
0xa8: {  	s5 =	sshll.u32 s28, $0x1;
	[dreg:$0x2] =	wrdreg s3  }
0xa9: {  	[dreg:$0x3] =	wrdreg s5  }
0xaa: {  	[dreg:$0x4] =	wrdreg $0xC0  }
0xab: {  	_ =	task [dreg:s7], $0x5FFFF  }
0xac: {  	[dreg:$0x1] =	wrdreg $0xFFFFFFFF  }
0xad: {  	[dreg:$0x0] =	wrdreg $0x60  }
0xae: {  	[dreg:$0x2] =	wrdreg s24  }
0xaf: {  	[dreg:$0x3] =	wrdreg s2  }
0xb0: {  	[dreg:$0x4] =	wrdreg $0x9  }
0xb1: {  	_ =	task.clear_ibuf [dreg:s7], $0x5FFFF;
	_ =	strace $0x90000046  }
0xb2: {  	s29 =	simm.s32 $0x9;
	_ =	strace $0x80000048  }
0xb3: {  	_ =	swait.ge [sflag:s29], $0x1  }
0xb4: {  	[sflag:s29] =	ssyncadd.s32 $0xFFFFFFFF  }
0xb5: {  	_ =	strace $0x90000048  }
0xb6: {  	_ =	sfence  }
0xb7: {  	s30 =	sld [smem:$0x0];
	_ =	sdelay $0x2  }
0xb8: {  	s31 =	sshll.u32 s1, $0xD;
	s1 =	sshrl.u32 s1, $0x2  }
0xb9: {  	s3 =	sand.u32 $0x4000, s31;
	s1 =	sadd.s32 s1, s30  }
0xba: {  	s0 =	sor.u32 s3, s0;
	s1 =	sshll.u32 s1, $0x11  }
0xbb: {  	s0 =	sor.u32 s1, s0  }
0xbc: {  	s0 =	sadd.s32 $0x8F2B, s0  }
0xbd: {  	[sflag:s0] =	ssyncadd.remote.s32 $0x1  }
0xbe: {  	_ =	sfence.sel $0xFFFF  }
0xbf: {  	[dreg:$0x0] =	wrdreg $0xFFFFFFFF;
	(pc) =	sbr.abs _section_cstart, $3  }
0xc0: {  	[dreg:$0x1] =	wrdreg $0xFFFFFFFF  }
0xc1: {  	_ =	task.clear_ibuf [dreg:s7], $0x2FFFF;
	_ =	strace $0x9FFFFFFF  }
0xc2: {  	(tm) =	ssettm $0x7FFFFFFF  }
0xc3: {  	_ =	shalt  }
tec
execute0_lowered:
.L_overlay_start_1:
0x0: {  	(tag) =	ssettag $0x1  }
0x1: {  	s0 =	rddreg [dreg:$0x0]  }
0x2: {  	s1 =	rddreg [dreg:$0x1];
	s2 =	simm.s32 $0x0  }
0x3: {  	s3 =	srdreg.scid;
	s6 =	stileid.u32;
	s10 =	simm.s32 $0x3200  }
0x4: {  	s11 =	simm.s32 $0x64;
	s12 =	simm.s32 $0x3540;
	s13 =	simm.s32 $0x3268  }
0x5: {  	s14 =	simm.s32 $0x4E40;
	s15 =	simm.s32 $0x32D0;
	s16 =	simm.s32 $0x6740  }
0x6: {  	s17 =	simm.s32 $0x3338;
	s18 =	simm.s32 $0x8040;
	s19 =	simm.s32 $0x33A0  }
0x7: {  	s20 =	simm.s32 $0x9940;
	s21 =	simm.s32 $0x3408;
	s22 =	simm.s32 $0xB240  }
0x8: {  	s23 =	simm.s32 $0x3470;
	s24 =	simm.s32 $0xCB40;
	s25 =	simm.s32 $0x34D8  }
0x9: {  	s26 =	simm.s32 $0xE440;
	s28 =	simm.s32 $0x1;
	s29 =	simm.s32 $0x0  }
0xa: {  	[smem:$0x7FF] =	sst s2;
	s4 =	sadd.s32 $0xC00, s0;
	s3 =	sand.u32 $0x1, s3  }
0xb: {  	s5 =	sadd.s32 $0xF43000, s0;
	s9 =	sshll.u32 s6, $0x8;
	s7 =	ssub.s32 $0x2, s3  }
0xc: {  	s0 =	sadd.s32 $0x1AC00, s0;
	_ =	strace $0x80000047;
	s8 =	sshrl.u32 s7, $0x1  }
0xd: {  	s3 =	sshll.u32 s3, $0x7;
	[dreg:$0x3] =	wrdreg s0;
	s31 =	ssub.s32 s7, s8  }
0xe: {  	s7 =	sor.u32 s3, s9;
	s9 =	simm.s32 $0x2;
	s8 =	smax.u32 s31, $0x1  }
.LBB2_1:
0xf: {  	s0 =	rddreg [dreg:$0x3]  }
0x10: {  	[tilespmem:s2], [sflag:$0x2] =	stream.linear.gather [hbm4b:s0+s2], $0x3200, $0x38;
	[tilespmem:$0xFD40] =	vst v63  }
0x11: {  	_ =	swait.ge [sflag:s9], $0x3200  }
0x12: {  	[sflag:s9] =	ssyncset.done $0x0  }
0x13: {  	s30 =	simm.s32 $0x0;
	[sflag:s9] =	ssyncadd.s32 $0xFFFFCE00  }
.LBB2_2:
0x14: {  	s0 =	sshll.u32 s30, $0x2  }
0x15: {  	s31 =	sadd.s32 s7, s0  }
0x16: {  	s0 =	smul.u32 $0x1A, s31;
	_ =	sdelay $0x1  }
0x17: {  	s3 =	simm.s32 $0x0;
	s0 =	sadd.s32 s4, s0  }
0x18: {  	[tilespmem:s10], [sflag:$0x2] =	stream.linear.gather [hbm4b:s0+s3], $0x340, $0x38;
	[tilespmem:$0xFD40] =	vst v63  }
0x19: {  	_ =	swait.ge [sflag:s9], $0x340  }
0x1a: {  	[sflag:s9] =	ssyncset.done $0x0  }
0x1b: {  	[sflag:s9] =	ssyncadd.s32 $0xFFFFFCC0  }
0x1c: {  	[tilespmem:s12], [sflag:$0x1] =	stream.indirect.gather [hbm4b:s5+s11], $0x40, s10, s11, $0xb8;
	[tilespmem:$0xFD40] =	vst v63  }
0x1d: {  	_ = 	snop  }
0x1e: {  	[tilespmem:s14], [sflag:$0x1] =	stream.indirect.gather [hbm4b:s5+s11], $0x40, s13, s11, $0xb8;
	[tilespmem:$0xFD40] =	vst v63  }
0x1f: {  	_ = 	snop  }
0x20: {  	[tilespmem:s16], [sflag:$0x1] =	stream.indirect.gather [hbm4b:s5+s11], $0x40, s15, s11, $0xb8;
	[tilespmem:$0xFD40] =	vst v63  }
0x21: {  	_ = 	snop  }
0x22: {  	[tilespmem:s18], [sflag:$0x1] =	stream.indirect.gather [hbm4b:s5+s11], $0x40, s17, s11, $0xb8;
	[tilespmem:$0xFD40] =	vst v63  }
0x23: {  	_ = 	snop  }
0x24: {  	[tilespmem:s20], [sflag:$0x1] =	stream.indirect.gather [hbm4b:s5+s11], $0x40, s19, s11, $0xb8;
	[tilespmem:$0xFD40] =	vst v63  }
0x25: {  	_ = 	snop  }
0x26: {  	[tilespmem:s22], [sflag:$0x1] =	stream.indirect.gather [hbm4b:s5+s11], $0x40, s21, s11, $0xb8;
	[tilespmem:$0xFD40] =	vst v63  }
0x27: {  	_ = 	snop  }
0x28: {  	[tilespmem:s24], [sflag:$0x1] =	stream.indirect.gather [hbm4b:s5+s11], $0x40, s23, s11, $0xb8;
	[tilespmem:$0xFD40] =	vst v63  }
0x29: {  	_ = 	snop  }
0x2a: {  	[tilespmem:s26], [sflag:$0x1] =	stream.indirect.gather [hbm4b:s5+s11], $0x40, s25, s11, $0xb8;
	[tilespmem:$0xFD40] =	vst v63  }
0x2b: {  	_ =	swait.ge [sflag:s28], $0x1900  }
0x2c: {  	[sflag:s28] =	ssyncset.done $0x0  }
0x2d: {  	[sflag:s28] =	ssyncadd.s32 $0xFFFFE700  }
0x2e: {  	_ =	swait.ge [sflag:s28], $0x1900  }
0x2f: {  	[sflag:s28] =	ssyncset.done $0x0  }
0x30: {  	[sflag:s28] =	ssyncadd.s32 $0xFFFFE700  }
0x31: {  	_ =	swait.ge [sflag:s28], $0x1900  }
0x32: {  	[sflag:s28] =	ssyncset.done $0x0  }
0x33: {  	[sflag:s28] =	ssyncadd.s32 $0xFFFFE700  }
0x34: {  	_ =	swait.ge [sflag:s28], $0x1900  }
0x35: {  	[sflag:s28] =	ssyncset.done $0x0  }
0x36: {  	[sflag:s28] =	ssyncadd.s32 $0xFFFFE700  }
0x37: {  	_ =	swait.ge [sflag:s28], $0x1900  }
0x38: {  	[sflag:s28] =	ssyncset.done $0x0  }
0x39: {  	[sflag:s28] =	ssyncadd.s32 $0xFFFFE700  }
0x3a: {  	_ =	swait.ge [sflag:s28], $0x1900  }
0x3b: {  	[sflag:s28] =	ssyncset.done $0x0  }
0x3c: {  	[sflag:s28] =	ssyncadd.s32 $0xFFFFE700  }
0x3d: {  	_ =	swait.ge [sflag:s28], $0x1900  }
0x3e: {  	[sflag:s28] =	ssyncset.done $0x0  }
0x3f: {  	[sflag:s28] =	ssyncadd.s32 $0xFFFFE700  }
0x40: {  	_ =	swait.ge [sflag:s28], $0x1900  }
0x41: {  	[sflag:s28] =	ssyncset.done $0x0  }
0x42: {  	s0 =	simm.s32 $0x0;
	[sflag:s28] =	ssyncadd.s32 $0xFFFFE700  }
0x43: {  	v6 =	vld [tilespmem:s0+$0x0]  }
0x44: {  	v8 =	vld [tilespmem:s0+$0x10]  }
0x45: {  	v9 =	vld [tilespmem:s0+$0x20]  }
0x46: {  	v7 =	vld [tilespmem:s0+$0x30]  }
0x47: {  	v10 =	vld [tilespmem:s0+$0x30]  }
0x48: {  	v11 =	vld [tilespmem:s0+$0x0]  }
0x49: {  	v13 =	vld [tilespmem:s0+$0x10]  }
0x4a: {  	v5 =	vld [tilespmem:s0+$0x20]  }
0x4b: {  	v4 =	vld [tilespmem:s0+$0x30]  }
0x4c: {  	v3 =	vld [tilespmem:s0+$0x0]  }
0x4d: {  	v2 =	vld [tilespmem:s0+$0x10]  }
0x4e: {  	v1 =	vld [tilespmem:s0+$0x20]  }
0x4f: {  	v0 =	vld [tilespmem:s0+$0x30]  }
0x50: {  	v12 =	vld [tilespmem:s0+$0x3540]  }
0x51: {  	v14 =	vld [tilespmem:s0+$0x3550]  }
0x52: {  	v15 =	vld [tilespmem:s0+$0x3560]  }
0x53: {  	v16 =	vld [tilespmem:s0+$0x3570]  }
0x54: {  	v17 =	vld [tilespmem:s0+$0x6740]  }
0x55: {  	v18 =	vld [tilespmem:s0+$0x6750];
	v12 =	vadd.f32 v6, v12  }
0x56: {  	v19 =	vld [tilespmem:s0+$0x6760];
	v14 =	vadd.f32 v8, v14  }
0x57: {  	v15 =	vadd.f32 v9, v15;
	[tilespmem:s0+$0x3540] =	vst v12;
	v12 =	vld [tilespmem:s0+$0x6770]  }
0x58: {  	v7 =	vadd.f32 v7, v16;
	[tilespmem:s0+$0x3550] =	vst v14;
	v14 =	vld [tilespmem:s0+$0x9940]  }
0x59: {  	v6 =	vadd.f32 v6, v17;
	[tilespmem:s0+$0x3560] =	vst v15;
	v15 =	vld [tilespmem:s0+$0x9950]  }
0x5a: {  	v8 =	vadd.f32 v8, v18;
	[tilespmem:s0+$0x3570] =	vst v7;
	v7 =	vld [tilespmem:s0+$0x9960]  }
0x5b: {  	v9 =	vadd.f32 v9, v19;
	[tilespmem:s0+$0x6740] =	vst v6;
	v6 =	vld [tilespmem:s0+$0x9970]  }
0x5c: {  	[tilespmem:s0+$0x6750] =	vst v8;
	v8 =	vld [tilespmem:s0+$0xCB40];
	v10 =	vadd.f32 v10, v12  }
0x5d: {  	[tilespmem:s0+$0x6760] =	vst v9;
	v9 =	vld [tilespmem:s0+$0xCB50];
	v12 =	vadd.f32 v11, v14  }
0x5e: {  	s3 =	simm.s32 $0x100;
	v11 =	vadd.f32 v13, v15;
	[tilespmem:s0+$0x6770] =	vst v10;
	v10 =	vld [tilespmem:s0+$0xCB60]  }
.LBB2_3:
0x5f: {  	s6 =	sshra.s32 s3, $0x2;
	p0 =	sne.s32 s3, $0xC700;
	[tilespmem:s0+$0x9940] =	vst v12;
	v5 =	vadd.f32 v5, v7;
	v7 =	vld [tilespmem:s0+$0xCB70]  }
0x60: {  	v12 =	vld [tilespmem:s6+$0x0];
	[tilespmem:s0+$0x9950] =	vst v11;
	v4 =	vadd.f32 v4, v6  }
0x61: {  	v6 =	vld [tilespmem:s6+$0x10];
	[tilespmem:s0+$0x9960] =	vst v5;
	v3 =	vadd.f32 v3, v8  }
0x62: {  	v8 =	vld [tilespmem:s6+$0x20];
	[tilespmem:s0+$0x9970] =	vst v4;
	v2 =	vadd.f32 v2, v9  }
0x63: {  	v9 =	vld [tilespmem:s6+$0x30];
	[tilespmem:s0+$0xCB40] =	vst v3;
	v1 =	vadd.f32 v1, v10  }
0x64: {  	v10 =	vld [tilespmem:s6+$0x30];
	[tilespmem:s0+$0xCB50] =	vst v2;
	v0 =	vadd.f32 v0, v7  }
0x65: {  	v11 =	vld [tilespmem:s6+$0x0];
	[tilespmem:s0+$0xCB60] =	vst v1  }
0x66: {  	v13 =	vld [tilespmem:s6+$0x10];
	[tilespmem:s0+$0xCB70] =	vst v0;
	s0 =	smov.u32 s6  }
0x67: {  	v5 =	vld [tilespmem:s0+$0x20]  }
0x68: {  	v4 =	vld [tilespmem:s0+$0x30]  }
0x69: {  	v3 =	vld [tilespmem:s0+$0x0]  }
0x6a: {  	v2 =	vld [tilespmem:s0+$0x10]  }
0x6b: {  	v1 =	vld [tilespmem:s0+$0x20]  }
0x6c: {  	v0 =	vld [tilespmem:s0+$0x30]  }
0x6d: {  	v7 =	vld [tilespmem:s0+$0x3540]  }
0x6e: {  	v14 =	vld [tilespmem:s0+$0x3550]  }
0x6f: {  	v15 =	vld [tilespmem:s0+$0x3560]  }
0x70: {  	v16 =	vld [tilespmem:s0+$0x3570]  }
0x71: {  	v17 =	vld [tilespmem:s0+$0x6740]  }
0x72: {  	v7 =	vadd.f32 v12, v7;
	v18 =	vld [tilespmem:s0+$0x6750]  }
0x73: {  	v14 =	vadd.f32 v6, v14;
	v19 =	vld [tilespmem:s0+$0x6760]  }
0x74: {  	[tilespmem:s0+$0x3540] =	vst v7;
	v7 =	vadd.f32 v8, v15;
	v15 =	vld [tilespmem:s0+$0x6770]  }
0x75: {  	[tilespmem:s0+$0x3550] =	vst v14;
	v9 =	vadd.f32 v9, v16;
	v14 =	vld [tilespmem:s0+$0x9940]  }
0x76: {  	[tilespmem:s0+$0x3560] =	vst v7;
	v12 =	vadd.f32 v12, v17;
	v16 =	vld [tilespmem:s0+$0x9950]  }
.Ltmp0:
0x77: {  	[tilespmem:s0+$0x3570] =	vst v9;
	v9 =	vadd.f32 v6, v18;
	v7 =	vld [tilespmem:s0+$0x9960];
	(pc) =	sbr.rel @p0 .LBB2_3-.Ltmp0, $4  }
0x78: {  	[tilespmem:s0+$0x6740] =	vst v12;
	v12 =	vadd.f32 v8, v19;
	v6 =	vld [tilespmem:s0+$0x9970]  }
0x79: {  	[tilespmem:s0+$0x6750] =	vst v9;
	v10 =	vadd.f32 v10, v15;
	v8 =	vld [tilespmem:s0+$0xCB40]  }
0x7a: {  	[tilespmem:s0+$0x6760] =	vst v12;
	v12 =	vadd.f32 v11, v14;
	v9 =	vld [tilespmem:s0+$0xCB50]  }
0x7b: {  	s3 =	sadd.s32 $0x100, s3;
	[tilespmem:s0+$0x6770] =	vst v10;
	v11 =	vadd.f32 v13, v16;
	v10 =	vld [tilespmem:s0+$0xCB60]  }
0x7c: {  	[tilespmem:s0+$0x9940] =	vst v12;
	v5 =	vadd.f32 v5, v7;
	v63 =	vld [tilespmem:s0+$0xCB70]  }
0x7d: {  	[tilespmem:s0+$0x9950] =	vst v11;
	v4 =	vadd.f32 v4, v6  }
0x7e: {  	[tilespmem:s0+$0x9960] =	vst v5;
	v3 =	vadd.f32 v3, v8  }
0x7f: {  	[tilespmem:s0+$0x9970] =	vst v4;
	v2 =	vadd.f32 v2, v9  }
0x80: {  	[tilespmem:s0+$0xCB40] =	vst v3;
	v1 =	vadd.f32 v1, v10  }
0x81: {  	s3 =	smul.u32 $0x640, s31;
	s30 =	sadd.s32 $0x1, s30;
	[tilespmem:s0+$0xCB50] =	vst v2;
	v0 =	vadd.f32 v0, v63  }
0x82: {  	p0 =	sne.s32 s30, $0x20;
	[tilespmem:s0+$0xCB60] =	vst v1  }
.Ltmp1:
0x83: {  	s31 =	sadd.s32 s1, s3;
	[tilespmem:s0+$0xCB70] =	vst v0;
	(pc) =	sbr.rel @p0 .LBB2_2-.Ltmp1, $4  }
0x84: {  	[hbm4b:s31+s2] =	stream.linear.scatter [tilespmem:s12], [sflag:$0x2], $0xC800, $0x38;
	[tilespmem:$0xFD40] =	vst v63  }
0x85: {  	_ =	swait.ge [sflag:s9], $0xC800  }
0x86: {  	[sflag:s9] =	ssyncset.done $0x0  }
0x87: {  	[sflag:s9] =	ssyncadd.s32 $0xFFFF3800  }
0x88: {  	s29 =	sadd.s32 $0x1, s29  }
0x89: {  	p0 =	sne.s32 s29, s8  }
.Ltmp2:
0x8a: {  	_ = 	snop;
	(pc) =	sbr.rel @p0 .LBB2_1-.Ltmp2, $1  }
0x8b: {  	_ =	sdelay $0x3  }
0x8c: {  	_ =	sfence.sel $0x180000  }
0x8d: {  	[bflag:$0x0] =	sbarrier.arrive $0xFFFF  }
0x8e: {  	_ =	strace $0x90000047  }
0x8f: {  	s0 =	stileid.u32;
	[bflag:$0x2] =	sbarrier.arrive $0xFFFF  }
0x90: {  	p0 =	sne.s32 s0, $0x0;
	s0 =	rddreg [dreg:$0x2]  }
0x91: {  	s0 =	sadd.s32 @!p0 $0x100000, s0  }
0x92: {  	[sflag:s0] =	ssyncadd.tile.s32 @!p0 $0x1;
	_ =	shalt  }
.Lfunc_end2:
_tile_overlayer_lowered:
.L_overlay_start_2:
0x93: {  	(tag) =	ssettag $0x2  }
0x94: {  	s0 =	rddreg [dreg:$0x0];
	s2 =	stileid.u32  }
0x95: {  	s1 =	rddreg [dreg:$0x1];
	p0 =	sne.s32 s2, $0x0  }
0x96: {  	s3 =	rddreg [dreg:$0x2];
	[bflag:$0x3] =	sbarrier.arrive $0xFFFF;
	s2 =	simm.s32 @!p0 $0x1C02  }
0x97: {  	[timem:s3], [sflag:s2] =	dma.local @!p0 [hbm:s0], s1  }
0x98: {  	s0 =	simm.s32 @!p0 $0x2  }
0x99: {  	_ =	swait.ge @!p0 [sflag:s0], s1  }
0x9a: {  	s1 =	ssub.s32 @!p0 $0x0, s1;
	[sflag:s0] =	ssyncset.done @!p0 $0x0  }
0x9b: {  	[sflag:s0] =	ssyncadd.s32 @!p0 s1  }
0x9c: {  	[bflag:$0x3] =	sbarrier.arrive $0xFFFF  }
0x9d: {  	_ =	shalt  }

// kernel: sparse-core-data-format-call.cloned.1.call-start
scs
called_computation_lowered:
.L_overlay_start_0:
0x0: {  	s2 =	sld [smem:$0x3FD9]  }
0x1: {  	s3 =	sld [smem:$0x3FFE];
	_ =	sdelay $0x1  }
0x2: {  	s1 =	srdreg.scid  }
0x3: {  	s0 =	sand.u32 $0x1, s1  }
0x4: {  	s18 =	sshll.u32 s0, $0xA;
	s2 =	sadd.s32 s3, s2  }
0x5: {  	s2 =	sadd.s32 s2, s18  }
0x6: {  	[smem:$0x3FC5] =	sst s2  }
0x7: {  	_ = 	snop  }
0x8: {  	s2 =	sld [smem:$0x3FD0];
	(tm) =	ssettm $0x1  }
0x9: {  	s19 =	sld [smem:$0x3FFB];
	_ =	sdelay $0x3  }
0xa: {  	_ =	strace s19  }
0xb: {  	s3 =	sld [smem:$0x3FFC];
	_ =	sdelay $0x3  }
0xc: {  	_ =	strace s3  }
0xd: {  	s3 =	sld [smem:$0x3FFD];
	_ =	sdelay $0x3  }
0xe: {  	_ =	strace s3  }
0xf: {  	_ =	strace $0x8FFFFFFF  }
0x10: {  	s20 =	sld [smem:$0x3FDB];
	_ =	sdelay $0x1  }
0x11: {  	s4 =	simm.s32 $_scs_section_size  }
0x12: {  	s5 =	simm.s32 $_size__tile_overlayer_lowered;
	s6 =	simm.s32 $_tile_overlayer_lowered  }
0x13: {  	s23 =	simm.s32 $0x1BFF;
	s22 =	sshll.u32 s6, $0x1;
	s3 =	sadd.s32 s4, s20  }
0x14: {  	s7 =	simm.s32 $0x0;
	s21 =	sshll.u32 s5, $0x1;
	s5 =	sadd.s32 s22, s3  }
0x15: {  	[timem:s7], [sflag:s23] =	dma.local [hbm:s5], s21  }
0x16: {  	_ =	swait.ge [sflag:s23], s21  }
0x17: {  	s4 =	ssub.s32 $0x0, s21;
	[sflag:s23] =	ssyncset.done $0x0  }
0x18: {  	[sflag:s23] =	ssyncadd.s32 s4;
	_ =	sdelay $0x1  }
0x19: {  	s24 =	simm.s32 $0x1B8B  }
0x1a: {  	_ =	swait.ge [sflag:s24], $0x1  }
0x1b: {  	[sflag:s24] =	ssyncset.done $0x0  }
0x1c: {  	s26 =	simm.s32 $0x1B8E;
	s25 =	sld [smem:$0x3FFE];
	[sflag:s24] =	ssyncadd.s32 $0xFFFFFFFF  }
0x1d: {  	s27 =	simm.s32 $execute0_lowered;
	[smem:$0x3FD2] =	sst s26  }
0x1e: {  	s5 =	sshll.u32 s27, $0x1;
	_ =	strace $0x80000049;
	[dreg:$0x1] =	wrdreg $0xFFFFFFFF  }
0x1f: {  	s28 =	simm.s32 $_size_execute0_lowered;
	s3 =	sadd.s32 s3, s5;
	[dreg:$0x0] =	wrdreg $0x0  }
0x20: {  	s5 =	sshll.u32 s28, $0x1;
	[dreg:$0x2] =	wrdreg s3  }
0x21: {  	[dreg:$0x3] =	wrdreg s5  }
0x22: {  	[dreg:$0x4] =	wrdreg $0xC0  }
0x23: {  	_ =	task [dreg:s7], $0x5FFFF  }
0x24: {  	[dreg:$0x1] =	wrdreg $0xFFFFFFFF  }
0x25: {  	[dreg:$0x0] =	wrdreg $0x60  }
0x26: {  	[dreg:$0x2] =	wrdreg s25  }
0x27: {  	[dreg:$0x3] =	wrdreg s2  }
0x28: {  	[dreg:$0x4] =	wrdreg $0x9  }
0x29: {  	_ =	task.clear_ibuf [dreg:s7], $0x5FFFF;
	_ =	strace $0x90000049  }
0x2a: {  	s29 =	simm.s32 $0x9;
	_ =	strace $0x8000004B  }
0x2b: {  	_ =	swait.ge [sflag:s29], $0x1  }
0x2c: {  	[sflag:s29] =	ssyncadd.s32 $0xFFFFFFFF  }
0x2d: {  	_ =	strace $0x9000004B  }
0x2e: {  	_ =	sfence  }
0x2f: {  	s30 =	sld [smem:$0x0];
	_ =	sdelay $0x2  }
0x30: {  	s31 =	sshll.u32 s1, $0xD;
	s1 =	sshrl.u32 s1, $0x2  }
0x31: {  	s3 =	sand.u32 $0x4000, s31;
	s1 =	sadd.s32 s1, s30  }
0x32: {  	s0 =	sor.u32 s3, s0;
	s1 =	sshll.u32 s1, $0x11  }
0x33: {  	s0 =	sor.u32 s1, s0  }
0x34: {  	s0 =	sadd.s32 $0x8F2B, s0  }
0x35: {  	[sflag:s0] =	ssyncadd.remote.s32 $0x1  }
0x36: {  	_ =	sfence.sel $0xFFFF  }
0x37: {  	[dreg:$0x0] =	wrdreg $0xFFFFFFFF;
	(pc) =	sbr.abs _section_cstart, $3  }
0x38: {  	[dreg:$0x1] =	wrdreg $0xFFFFFFFF  }
0x39: {  	_ =	task.clear_ibuf [dreg:s7], $0x2FFFF;
	_ =	strace $0x9FFFFFFF  }
0x3a: {  	(tm) =	ssettm $0x7FFFFFFF  }
0x3b: {  	_ =	shalt  }
tec
execute0_lowered:
.L_overlay_start_1:
0x0: {  	(tag) =	ssettag $0x1  }
0x1: {  	s0 =	srdreg.scid  }
0x2: {  	s1 =	sshll.u32 s0, $0x4  }
0x3: {  	s0 =	stileid.u32;
	s1 =	sand.u32 $0x10, s1  }
0x4: {  	s1 =	sor.u32 s0, s1  }
0x5: {  	s6 =	rddreg [dreg:$0x0];
	s4 =	simm.s32 $0x1;
	s2 =	sshll.u32 s1, $0x7  }
0x6: {  	s7 =	simm.s32 $0x2;
	s12 =	simm.s32 $0x0;
	s1 =	ssub.s32 $0x1000, s2  }
0x7: {  	s8 =	simm.s32 $0x8000;
	s13 =	simm.s32 $0x0;
	s3 =	sand.u32 $0xF80, s1  }
0x8: {  	s9 =	simm.s32 $0x0;
	s5 =	sshrl.u32 s1, $0xC;
	p0 =	sne.s32 s3, $0x0  }
.Ltmp0:
0x9: {  	s1 =	rddreg [dreg:$0x2];
	s4 =	simm.s32 @!p0 $0x0;
	(pc) =	sbr.rel .LBB1_1-.Ltmp0, $4  }
0xa: {  	s11 =	simm.s32 $0x0;
	s3 =	rddreg [dreg:$0x1];
	s5 =	sadd.s32 s4, s5  }
0xb: {  	_ =	strace $0x8000004A;
	s4 =	simm.s32 $0x1;
	s5 =	smul.u32 $0xC8, s5  }
0xc: {  	s6 =	sadd.s32 $0xC00, s6;
	s10 =	smov.u32 s2;
	[sflag:s4] =	ssyncpa.u1 $0x0  }
0xd: {  	p0 =	por $0x0, $0x0;
	[sflag:s7] =	ssyncpa.u1 $0x0;
	s7 =	sor.u32 $0x1, s5  }
.LBB1_4:
0xe: {  	s16 =	sshll.u32 s13, $0x3;
	s17 =	sand.u32 $0x78, s13  }
0xf: {  	s30 =	sand.u32 $0x7E00, s13;
	s12 =	sshll.u32 s12, $0xF;
	s16 =	sand.u32 $0xC00, s16  }
0x10: {  	[tilespmem:s15+$0x810 ss:$0x81] =	vst.msk $0xffff, v2;
	s31 =	sand.u32 $0x7, s13;
	s16 =	sor.u32 s17, s16;
	s17 =	sadd.s32 s3, s30  }
0x11: {  	[tilespmem:s15+$0x1020 ss:$0x81] =	vst.msk $0xffff, v0;
	s13 =	sshll.u32 s31, $0x12;
	s12 =	sadd.s32 s12, s17;
	s16 =	sshrl.u32 s16, $0x3  }
0x12: {  	[tilespmem:s15+$0x0 ss:$0x81] =	vst.msk $0xffff, v1;
	s13 =	sor.u32 $0x400, s13;
	s12 =	sadd.s32 s16, s12  }
0x13: {  	[hbm4b:s12+s13] =	stream.strided.scatter [tilespmem:s14], [sflag:$0x2], $0x2000, s8, s13, $0x20;
	[tilespmem:$0x8080] =	vst v63  }
.LBB1_5:
0x14: {  	s14 =	sadd.s32 $0x1, s9  }
0x15: {  	s12 =	sadd.s32 $0x1000, s10;
	s16 =	smov.u32 s10;
	p2 =	sgt.s32 s14, $0xC7  }
0x16: {  	s16 =	smov.u32 @p2 s12  }
0x17: {  	s14 =	simm.s32 @p2 $0x0;
	p2 =	sgt.s32 s16, $0xFFF  }
0x18: {  	s16 =	smov.u32 @p2 s2;
	p2 =	sne.s32 s11, s7  }
.Ltmp1:
0x19: {  	p1 =	slt.u32 s11, $0x2;
	(pc) =	sbr.rel @!p2 .LBB1_6-.Ltmp1, $4  }
0x1a: {  	s15 =	simm.s32 @!p1 $0x2  }
0x1b: {  	s13 =	smov.u32 s10;
	p0 =	por !p0, !p0;
	_ =	swait.ge @!p1 [sflag:s15], $0x2000  }
0x1c: {  	s12 =	smov.u32 s9;
	[sflag:s15] =	ssyncset.done @!p1 $0x0;
	s9 =	smov.u32 s14  }
0x1d: {  	s11 =	sadd.s32 $0x1, s11;
	[sflag:s15] =	ssyncadd.s32 @!p1 $0xFFFFE000;
	s10 =	smov.u32 s16  }
.LBB1_1:
0x1e: {  	p1 =	sge.u32 s11, s5  }
0x1f: {  	s14 =	sand.u32 @!p1 $0x1FFFFFF, s9  }
0x20: {  	s15 =	smulhi.u32 @!p1 $0x147AE15, s14;
	_ =	sdelay $0x1  }
0x21: {  	s15 =	smul.u32 @!p1 $0xC8, s15  }
0x22: {  	s16 =	sxor.u32 @!p1 $0xFFFFFFFF, s11;
	s17 =	smul.u32 @!p1 $0xC80, s10  }
0x23: {  	s31 =	sadd.s32 $0xFFFFFFFF, s11;
	s16 =	sshll.u32 @!p1 s16, $0xD;
	s14 =	ssub.s32 @!p1 s14, s15  }
0x24: {  	s15 =	sand.u32 @!p1 $0x2000, s16;
	s16 =	sadd.s32 @!p1 s6, s17;
	s14 =	sshll.u32 @!p1 s14, $0x4  }
0x25: {  	s17 =	simm.s32 @!p1 $0x6400;
	s14 =	sadd.s32 @!p1 s14, s16;
	s16 =	simm.s32 @!p1 $0x40  }
0x26: {  	[tilespmem:s15], [sflag:$0x1] =	stream.strided.gather @!p1 [hbm4b:s14+s16], $0x2000, s17, s16, $0x38;
	[tilespmem:$0x8080] =	vst v63  }
0x27: {  	p1 =	sge.u32 s31, s5  }
.Ltmp2:
0x28: {  	_ = 	snop;
	(pc) =	sbr.rel @p1 .LBB1_5-.Ltmp2, $1  }
0x29: {  	_ =	sdelay $0x3  }
0x2a: {  	s14 =	simm.s32 $0x1  }
0x2b: {  	_ =	swait.ge [sflag:s4], $0x2000;
	s14 =	simm.s32 @!p0 $0x0  }
0x2c: {  	[sflag:s4] =	ssyncset.done $0x0;
	s15 =	sshll.u32 s14, $0xD  }
0x2d: {  	[sflag:s4] =	ssyncadd.s32 $0xFFFFE000;
	s18 =	sor.u32 $0x20, s15  }
0x2e: {  	s14 =	smul.u32 $0x8100, s14;
	v3 =	vld [tilespmem:s18+$0x10]  }
0x2f: {  	s30 =	sand.u32 $0x1, s11;
	v2 =	vld [tilespmem:s18+$0xFFFFFFF0]  }
0x30: {  	s15 =	smul.u32 $0x8100, s30;
	s14 =	sshrl.u32 s14, $0x2;
	v0 =	vld [tilespmem:s18+$0x0]  }
0x31: {  	v1 =	vld [tilespmem:s18+$0xFFFFFFE0];
	s16 =	sor.u32 $0x4000, s14  }
0x32: {  	s31 =	sshrl.u32 s15, $0x2;
	s15 =	sadd.s32 $0x0, s16  }
0x33: {  	s17 =	simm.s32 $0x4;
	s18 =	sadd.s32 $0x40, s18;
	s14 =	sor.u32 $0x4000, s31;
	[tilespmem:s15+$0x1830 ss:$0x81] =	vst.msk $0xffff, v3  }
.LBB1_3:
0x34: {  	v3 =	vld [tilespmem:s18+$0x10];
	p1 =	sne.s32 s17, $0x1FC;
	[tilespmem:s15+$0x810 ss:$0x81] =	vst.msk $0xffff, v2;
	s19 =	smov.u32 s17;
	s17 =	sadd.s32 $0x4, s17  }
.Ltmp3:
0x35: {  	v2 =	vld [tilespmem:s18+$0xFFFFFFF0];
	[tilespmem:s15+$0x1020 ss:$0x81] =	vst.msk $0xffff, v0;
	(pc) =	sbr.rel @p1 .LBB1_3-.Ltmp3, $4  }
0x36: {  	v0 =	vld [tilespmem:s18+$0x0];
	[tilespmem:s15+$0x0 ss:$0x81] =	vst.msk $0xffff, v1  }
0x37: {  	s15 =	sshra.s32 s19, $0x2;
	v1 =	vld [tilespmem:s18+$0xFFFFFFE0]  }
0x38: {  	s15 =	sadd.s32 s15, s16  }
0x39: {  	s18 =	sadd.s32 $0x40, s18;
	[tilespmem:s15+$0x1830 ss:$0x81] =	vst.msk $0xffff, v3  }
.Ltmp4:
0x3a: {  	_ = 	snop;
	(pc) =	sbr.rel .LBB1_4-.Ltmp4, $1  }
0x3b: {  	_ =	sdelay $0x3  }
.LBB1_6:
0x3c: {  	_ =	sfence.sel $0x180000  }
0x3d: {  	s2 =	simm.s32 $0x1;
	[bflag:$0x0] =	sbarrier.arrive $0xFFFF  }
0x3e: {  	s31 =	simm.s32 $0x2;
	[sflag:s2] =	ssyncpa.u1 $0x1  }
0x3f: {  	[sflag:s31] =	ssyncpa.u1 $0x1  }
0x40: {  	p0 =	sne.s32 s0, $0x0;
	_ =	strace $0x9000004A  }
0x41: {  	s0 =	sadd.s32 @!p0 $0x100000, s1;
	[bflag:$0x2] =	sbarrier.arrive $0xFFFF  }
0x42: {  	[sflag:s0] =	ssyncadd.tile.s32 @!p0 $0x1;
	_ =	shalt  }
.Lfunc_end1:
_tile_overlayer_lowered:
.L_overlay_start_2:
0x43: {  	(tag) =	ssettag $0x2  }
0x44: {  	s0 =	rddreg [dreg:$0x0];
	s2 =	stileid.u32  }
0x45: {  	s1 =	rddreg [dreg:$0x1];
	p0 =	sne.s32 s2, $0x0  }
0x46: {  	s3 =	rddreg [dreg:$0x2];
	[bflag:$0x3] =	sbarrier.arrive $0xFFFF;
	s2 =	simm.s32 @!p0 $0x1C01  }
0x47: {  	[timem:s3], [sflag:s2] =	dma.local @!p0 [hbm:s0], s1  }
0x48: {  	s0 =	simm.s32 @!p0 $0x1  }
0x49: {  	_ =	swait.ge @!p0 [sflag:s0], s1  }
0x4a: {  	s1 =	ssub.s32 @!p0 $0x0, s1;
	[sflag:s0] =	ssyncset.done @!p0 $0x0  }
0x4b: {  	[sflag:s0] =	ssyncadd.s32 @!p0 s1  }
0x4c: {  	[bflag:$0x3] =	sbarrier.arrive $0xFFFF  }
0x4d: {  	_ =	shalt  }

</sc_bundles>
